<compile_context>
chip_gen: v7x
topology: tpu7x:2x2x1
jax: 0.10.2.dev20260603
libtpu: 0.0.44.dev20260713+nightly
codegen_flags: <defaults>
</compile_context>

<pallas_src>
import functools

import jax
import jax.numpy as jnp
import numpy as np
from jax import lax
from jax.experimental import pallas as pl
from jax.experimental.pallas import tpu as pltpu
from jax.experimental.pallas import tpu_sc as plsc

EPS = 1e-5
B = 2
V1 = 10000
VP = 10240
V2 = 4096
POOL2 = 1024
K = 6
C1 = 128
C2 = 256
NC, NS = 2, 16
NW = NC * NS

NEG = -3.0e38


def _sc_gather_body(rows_per, chunk, tbl, gidx, out, idxc, buf, sem):
    wid = lax.axis_index("s") * NC + lax.axis_index("c")
    base = wid * rows_per

    def step(k, _):
        off = base + k * chunk
        pltpu.sync_copy(gidx.at[pl.ds(off, chunk)], idxc)
        pltpu.async_copy(tbl.at[idxc], buf, sem).wait()
        pltpu.sync_copy(buf, out.at[pl.ds(off, chunk)])
        return 0

    lax.fori_loop(0, rows_per // chunk, step, 0)


def _sc_gather(tbl, gidx, rows, chunk):
    rows_per = rows // NW
    mesh = plsc.VectorSubcoreMesh(core_axis_name="c", subcore_axis_name="s")
    fn = functools.partial(
        pl.kernel,
        out_type=jax.ShapeDtypeStruct((rows, C1), jnp.float32),
        mesh=mesh,
        scratch_types=[
            pltpu.VMEM((chunk,), jnp.int32),
            pltpu.VMEM((chunk, C1), jnp.float32),
            pltpu.SemaphoreType.DMA,
        ],
    )(functools.partial(_sc_gather_body, rows_per, chunk))
    return fn(tbl, gidx)


def _sc_scatter_body(rows_per, chunk, tbl, slot, out, idxc, rows_v, sem):
    wid = lax.axis_index("s") * NC + lax.axis_index("c")
    base = wid * rows_per

    def step(k, _):
        off = base + k * chunk
        pltpu.sync_copy(slot.at[pl.ds(off, chunk)], idxc)
        pltpu.sync_copy(tbl.at[pl.ds(off, chunk)], rows_v)
        pltpu.async_copy(rows_v, out.at[idxc], sem).wait()
        return 0

    lax.fori_loop(0, rows_per // chunk, step, 0)


def _sc_scatter(tbl, slot, rows, chunk):
    rows_per = rows // NW
    mesh = plsc.VectorSubcoreMesh(core_axis_name="c", subcore_axis_name="s")
    fn = functools.partial(
        pl.kernel,
        out_type=jax.ShapeDtypeStruct((rows, C1), jnp.float32),
        mesh=mesh,
        scratch_types=[
            pltpu.VMEM((chunk,), jnp.int32),
            pltpu.VMEM((chunk, C1), jnp.float32),
            pltpu.SemaphoreType.DMA,
        ],
    )(functools.partial(_sc_scatter_body, rows_per, chunk))
    return fn(tbl, slot)


def _conv_body(x_ref, w_ref, o_ref):
    o_ref[0] = lax.dot_general(w_ref[...], x_ref[0], (((0,), (1,)), ((), ())),
                               preferred_element_type=jnp.float32)


def _conv(xg, wc, vtot, cout, blk=512):
    return pl.pallas_call(
        _conv_body,
        grid=(B, vtot // blk),
        in_specs=[
            pl.BlockSpec((1, blk, 7 * C1), lambda b, i: (b, i, 0)),
            pl.BlockSpec((7 * C1, cout), lambda b, i: (0, 0)),
        ],
        out_specs=pl.BlockSpec((1, cout, blk), lambda b, i: (b, 0, i)),
        out_shape=jax.ShapeDtypeStruct((B, cout, vtot), jnp.float32),
    )(xg, wc)


def _stats_body(valid, vtot, x_ref, x2_ref, n_ref):
    x = x_ref[0]
    lanes = lax.broadcasted_iota(jnp.int32, (1, vtot), 1)
    lmask = lanes < valid
    xm = jnp.where(lmask, x, 0.0)
    s = jnp.sum(xm, axis=1)
    m = s / jnp.float32(valid)
    xc = jnp.where(lmask, x - m[:, None], 0.0)
    s2 = jnp.sum(xc * xc, axis=1)
    var = s2 / jnp.float32(valid)
    d = jnp.sqrt(var + EPS)
    x2 = jax.nn.relu((x - m[:, None]) / d[:, None])
    x2_ref[0] = x2
    n = jnp.sqrt(jnp.sum(x2 * x2, axis=0, keepdims=True))
    n_ref[0] = jnp.where(lmask, n, -1.0)


def _stats(r, valid, cout, vtot):
    return pl.pallas_call(
        functools.partial(_stats_body, valid, vtot),
        grid=(B,),
        in_specs=[pl.BlockSpec((1, cout, vtot), lambda b: (b, 0, 0))],
        out_specs=(
            pl.BlockSpec((1, cout, vtot), lambda b: (b, 0, 0)),
            pl.BlockSpec((1, 1, vtot), lambda b: (b, 0, 0)),
        ),
        out_shape=(
            jax.ShapeDtypeStruct((B, cout, vtot), jnp.float32),
            jax.ShapeDtypeStruct((B, 1, vtot), jnp.float32),
        ),
    )(r)


def _final_body(y_ref, nrow_ref, ncol_ref, w_ref, bfc_ref, z_ref):
    def blk_step(i, g):
        a = nrow_ref[0, :, pl.ds(i * 512, 512)]
        vid = i * 512 + lax.broadcasted_iota(jnp.int32, (512, 512), 1)

        def ustep(j, cnt):
            u = ncol_ref[0, pl.ds(j * 512, 512)]
            uid = j * 512 + lax.broadcasted_iota(jnp.int32, (512, 512), 0)
            c = jnp.where((u > a) | ((u == a) & (uid < vid)), 1, 0)
            return cnt + jnp.sum(c, axis=0, keepdims=True)

        cnt = lax.fori_loop(0, V2 // 512, ustep,
                            jnp.zeros((1, 512), jnp.int32))
        mask = cnt < POOL2
        blk = y_ref[0, :, pl.ds(i * 512, 512)]
        mblk = jnp.where(mask, blk, NEG)
        return jnp.maximum(g, jnp.max(mblk, axis=1, keepdims=True))

    g = lax.fori_loop(0, V2 // 512, blk_step,
                      jnp.full((C2, 1), NEG, jnp.float32))
    z = lax.dot_general(g, w_ref[...], (((0,), (0,)), ((), ())),
                        preferred_element_type=jnp.float32)
    z = z + bfc_ref[...]
    m = jnp.mean(z)
    var = jnp.mean((z - m) * (z - m))
    z_ref[0] = (z - m) / jnp.sqrt(var + EPS)


def _final(y2, n2row, n2col, wfcT, bfc2d):
    return pl.pallas_call(
        _final_body,
        grid=(B,),
        in_specs=[
            pl.BlockSpec((1, C2, V2), lambda b: (b, 0, 0)),
            pl.BlockSpec((1, 1, V2), lambda b: (b, 0, 0)),
            pl.BlockSpec((1, V2, 1), lambda b: (b, 0, 0)),
            pl.BlockSpec((C2, C1), lambda b: (0, 0)),
            pl.BlockSpec((1, C1), lambda b: (0, 0)),
        ],
        out_specs=pl.BlockSpec((1, 1, C1), lambda b: (b, 0, 0)),
        out_shape=jax.ShapeDtypeStruct((B, 1, C1), jnp.float32),
    )(y2, n2row, n2col, wfcT, bfc2d)


def _pool_order_slots(g1v, W1, b1):
    x = g1v.reshape(B, V1, K + 1, C1)
    out = jnp.einsum('bvkc,ock->bov', x, W1[:, :, 0, :]) + b1[None, :, None]
    x1 = out[..., None]
    m = jnp.mean(x1, axis=(2, 3), keepdims=True)
    v = jnp.var(x1, axis=(2, 3), keepdims=True)
    x1 = (x1 - m) / jnp.sqrt(v + EPS)
    x1 = jax.nn.relu(x1)
    x2 = jnp.squeeze(x1, axis=3)
    x2 = lax.optimization_barrier(x2)
    norms = jnp.sqrt(jnp.sum(x2 * x2, axis=1))
    normsP = jnp.pad(norms, ((0, 0), (0, VP - V1)), constant_values=-1.0)
    _, idxfull = jax.lax.top_k(normsP, VP)
    barange = jnp.broadcast_to(jnp.arange(VP, dtype=jnp.int32)[None], (B, VP))
    slot = jnp.zeros((B, VP), jnp.int32)
    slot = slot.at[jnp.arange(B)[:, None], idxfull].set(barange)
    return (slot + jnp.arange(B, dtype=jnp.int32)[:, None] * VP).reshape(-1)


def kernel(fe, neighbors1, neighbors2, W1, b1, W2, b2, Wfc, bfc):
    del b2

    fevT = jnp.transpose(fe, (0, 2, 1))
    fevT_p = jnp.pad(fevT, ((0, 0), (0, VP - V1), (0, 0)))
    tbl1 = fevT_p.reshape(B * VP, C1)

    n1i = jnp.pad(neighbors1.astype(jnp.int32),
                  ((0, 0), (0, VP - V1), (0, 0)))
    own = jnp.broadcast_to(jnp.arange(VP, dtype=jnp.int32)[None, :, None],
                           (B, VP, 1))
    boff = (jnp.arange(B, dtype=jnp.int32) * VP)[:, None, None]
    gidx1 = jnp.concatenate([own, n1i], axis=2) + boff
    gidx1 = gidx1.reshape(-1)

    wc1 = jnp.transpose(W1[:, :, 0, :], (2, 1, 0)).reshape(7 * C1, C1)
    wc2 = jnp.transpose(W2[:, :, 0, :], (2, 1, 0)).reshape(7 * C1, C2)

    g1 = _sc_gather(tbl1, gidx1, B * VP * 7, 448)
    g1r = g1.reshape(B, VP, 7 * C1)
    r1 = _conv(g1r, wc1, VP, C1)
    x2, n1row = _stats(r1, V1, C1, VP)
    slot1 = _pool_order_slots(g1r[:, :V1], W1, b1)

    own2 = jnp.broadcast_to(jnp.arange(V2, dtype=jnp.int32)[None, :, None],
                            (B, V2, 1))
    keys = jnp.concatenate([own2, neighbors2.astype(jnp.int32)], axis=2)
    keys_glob = (keys + boff).reshape(-1)
    x2T = jnp.transpose(x2, (0, 2, 1)).reshape(B * VP, C1)
    x2p = _sc_scatter(x2T, slot1, B * VP, 640)
    g2 = _sc_gather(x2p, keys_glob, B * V2 * 7, 448)
    g2r = g2.reshape(B, V2, 7 * C1)
    r2 = _conv(g2r, wc2, V2, C2)
    y2, n2row = _stats(r2, V2, C2, V2)

    n2col = n2row.reshape(B, V2, 1)
    z = _final(y2, n2row, n2col, Wfc.T, bfc.reshape(1, C1))

    return (z, x2[:, :, :V1], y2)

# --- scband reference (transcript-rebuilt; emitter-appended) ---
"""Pipeline reference for scband-mesh-encoder-point-58969900974264 (READ-ONLY COPY).

The authoritative reference and input builder live on the scoring server;
editing this copy changes nothing except your own understanding.
"""

import jax, jax.numpy as jnp
import numpy as np

EPS = 1e-5


def instance_norm(x, axes):
    m = jnp.mean(x, axis=axes, keepdims=True)
    v = jnp.var(x, axis=axes, keepdims=True)
    return (x - m) / jnp.sqrt(v + EPS)


def mesh_conv_point(fe, nbr, W, b):
    # fe: [B, C_in, V]; nbr: [B, V, K] int; W: [C_out, C_in, 1, K+1]; b: [C_out]
    fev = jnp.transpose(fe, (0, 2, 1))  # [B, V, C]
    gathered = jax.vmap(lambda f, n: f[n])(fev, nbr)  # [B, V, K, C]
    center = fev[:, :, None, :]
    x = jnp.concatenate([center, gathered], axis=2)  # [B, V, K+1, C]
    out = jnp.einsum('bvkc,ock->bov', x, W[:, :, 0, :]) + b[None, :, None]
    return out[..., None]  # [B, C_out, V, 1]


def mesh_pool_point(x, target):
    # x: [B, C, V] -> select top `target` vertices by feature L2 norm
    norms = jnp.sqrt(jnp.sum(x * x, axis=1))  # [B, V]
    _, idx = jax.lax.top_k(norms, target)  # [B, target]
    return jnp.take_along_axis(x, idx[:, None, :], axis=2)  # [B, C, target]


def setup_inputs(seed: int = 0) -> dict:
    key = jax.random.key(seed)
    ks = jax.random.split(key, 10)
    B, C0, V = 2, 128, 10000
    K = 6
    fe = jax.random.normal(ks[0], (B, C0, V), dtype=jnp.float32)
    neighbors1 = jax.random.randint(ks[1], (B, 10000, K), 0, 10000, dtype=jnp.int64)
    neighbors2 = jax.random.randint(ks[2], (B, 4096, K), 0, 4096, dtype=jnp.int64)
    # xavier-normal-ish conv weights (reset_params applies xavier to Conv2d)
    W1 = jax.random.normal(ks[3], (128, 128, 1, K + 1), dtype=jnp.float32) * np.sqrt(2.0 / (128 * 7 + 128))
    b1 = jnp.zeros((128,), dtype=jnp.float32)
    W2 = jax.random.normal(ks[4], (256, 128, 1, K + 1), dtype=jnp.float32) * np.sqrt(2.0 / (128 * 7 + 256))
    b2 = jnp.zeros((256,), dtype=jnp.float32)
    Wfc = jax.random.normal(ks[5], (128, 256), dtype=jnp.float32) * (1.0 / np.sqrt(256))
    bfc = jax.random.normal(ks[6], (128,), dtype=jnp.float32) * (1.0 / np.sqrt(256))
    return {"fe": fe, "neighbors1": neighbors1, "neighbors2": neighbors2,
            "W1": W1, "b1": b1, "W2": W2, "b2": b2, "Wfc": Wfc, "bfc": bfc}


def reference(fe, neighbors1, neighbors2, W1, b1, W2, b2, Wfc, bfc):
    encoder_outs = []
    # --- DownConvPoint level 0: conv 128->128, pool 10000 -> 4096 ---
    x1 = mesh_conv_point(fe, neighbors1, W1, b1)          # [B,128,10000,1]
    x1 = instance_norm(x1, axes=(2, 3))                   # InstanceNorm2d (affine=False)
    x1 = jax.nn.relu(x1)
    x2 = jnp.squeeze(x1, axis=3)                          # [B,128,10000]
    encoder_outs.append(x2)
    x2 = mesh_pool_point(x2, 4096)                        # [B,128,4096]
    # --- DownConvPoint level 1: conv 128->256, pool 4096 -> 1024 ---
    y1 = mesh_conv_point(x2, neighbors2, W2, b2)          # [B,256,4096,1]
    y1 = instance_norm(y1, axes=(2, 3))
    y1 = jax.nn.relu(y1)
    y2 = jnp.squeeze(y1, axis=3)                          # [B,256,4096]
    encoder_outs.append(y2)
    y2 = mesh_pool_point(y2, 1024)                        # [B,256,1024]
    # --- global max pool (MaxPool1d(pools[-1]=1024)) ---
    g = jnp.max(y2, axis=2)                               # [B,256]
    g = g.reshape(g.shape[0], -1)
    # --- last_fc + InstanceNorm1d ---
    z = g @ Wfc.T + bfc                                   # [B,128]
    z = z[:, None, :]                                     # [B,1,128]
    z = instance_norm(z, axes=(2,))                       # IN1d over L, C=1
    return (z, encoder_outs[0], encoder_outs[1])

if __name__ == "__main__":
    import jax
    _d = setup_inputs()
    print(jax.jit(kernel)(*tuple(_d.values())))

</pallas_src>

<mosaic_0001>
#map = affine_map<(d0, d1) -> (0, 0)>
#map1 = affine_map<(d0, d1) -> (0)>
module attributes {stable_mosaic.version = 14 : i64} {
  func.func @_sc_gather_body(%arg0: i32, %arg1: i32, %arg2: memref<20480x128xf32, #tpu.memory_space<hbm>>, %arg3: memref<143360xi32, #tpu.memory_space<hbm>>, %arg4: memref<143360x128xf32, #tpu.memory_space<hbm>>, %arg5: memref<448xi32, #tpu.memory_space<vmem>>, %arg6: memref<448x128xf32, #tpu.memory_space<vmem>>, %arg7: memref<!tpu.dma_semaphore, #tpu.memory_space<semaphore_mem>>) attributes {dimension_semantics = [#tpu.dimension_semantics<core_parallel>, #tpu.dimension_semantics<subcore_parallel>], iteration_bounds = array<i64: 2, 16>, scalar_prefetch = 0 : i64, scratch_operands = 3 : i64, tpu.core_type = #tpu.core_type<sc_vector_subcore>, window_params = [{transform_indices = #map}, {transform_indices = #map1}, {transform_indices = #map}]} {
    %mul3A = arith.constant 2 : i32
    %mul3A_0 = arith.muli %arg1, %mul3A : i32
    %add3A = arith.addi %mul3A_0, %arg0 : i32
    %mul3A_1 = arith.constant 4480 : i32
    %mul3A_2 = arith.muli %add3A, %mul3A_1 : i32
    %scan3A = arith.constant 0 : i32
    %scan3A_3 = arith.constant 0 : i32
    %scan3A_4 = arith.constant 10 : i32
    %scan3A_5 = arith.addi %scan3A_3, %scan3A_4 : i32
    %scan3A_6 = arith.constant 1 : i32
    %scan3A_7 = scf.for %scan3A_9 = %scan3A_3 to %scan3A_5 step %scan3A_6 iter_args(%scan3A_10 = %scan3A) -> (i32)  : i32 {
      %mul3A_11 = arith.constant 448 : i32
      %mul3A_12 = arith.muli %scan3A_9, %mul3A_11 : i32
      %add3A_13 = arith.addi %mul3A_2, %mul3A_12 : i32
      "tpu.region"() ({
        %run_scoped3A = tpu.sem_alloc : memref<!tpu.dma_semaphore, #tpu.memory_space<semaphore_mem>>
        %dma_start3A_19 = tpu.memref_slice %arg3[%add3A_13] : memref<143360xi32, #tpu.memory_space<hbm>> -> memref<448xi32, #tpu.memory_space<hbm>>
        %dma_start3A_20 = tpu.memref_slice %arg3[%add3A_13] : memref<143360xi32, #tpu.memory_space<hbm>> -> memref<448xi32, #tpu.memory_space<hbm>>
        tpu.enqueue_dma source(%dma_start3A_20 : memref<448xi32, #tpu.memory_space<hbm>>) target(%arg5 : memref<448xi32, #tpu.memory_space<vmem>>) target_semaphore(%run_scoped3A : memref<!tpu.dma_semaphore, #tpu.memory_space<semaphore_mem>>)
        %dma_wait3A_21 = tpu.memref_slice %arg3[%add3A_13] : memref<143360xi32, #tpu.memory_space<hbm>> -> memref<448xi32, #tpu.memory_space<hbm>>
        %dma_wait3A_22 = tpu.memref_slice %arg3[%add3A_13] : memref<143360xi32, #tpu.memory_space<hbm>> -> memref<448xi32, #tpu.memory_space<hbm>>
        tpu.wait_dma2 semaphore(%run_scoped3A : memref<!tpu.dma_semaphore, #tpu.memory_space<semaphore_mem>>) src(%dma_wait3A_22 : memref<448xi32, #tpu.memory_space<hbm>>) dst(%arg5 : memref<448xi32, #tpu.memory_space<vmem>>)
        tpu.yield
      }) : () -> ()
      %dma_start3A = arith.constant 0 : i32
      %dma_start3A_14 = arith.constant 0 : i32
      %dma_start3A_15 = tpu.memref_slice %arg2[%dma_start3A, %dma_start3A_14] : memref<20480x128xf32, #tpu.memory_space<hbm>> -> memref<20480x128xf32, #tpu.memory_space<hbm>>
      tpu.enqueue_indirect_dma source(%dma_start3A_15 : memref<20480x128xf32, #tpu.memory_space<hbm>>) target(%arg6 : memref<448x128xf32, #tpu.memory_space<vmem>>) offsets(%arg5 : memref<448xi32, #tpu.memory_space<vmem>>) semaphore(%arg7 : memref<!tpu.dma_semaphore, #tpu.memory_space<semaphore_mem>>)
      %dma_wait3A = arith.constant 0 : i32
      %dma_wait3A_16 = arith.constant 0 : i32
      %dma_wait3A_17 = tpu.memref_slice %arg2[%dma_wait3A, %dma_wait3A_16] : memref<20480x128xf32, #tpu.memory_space<hbm>> -> memref<20480x128xf32, #tpu.memory_space<hbm>>
      tpu.wait_indirect_dma semaphore(%arg7 : memref<!tpu.dma_semaphore, #tpu.memory_space<semaphore_mem>>) src(%dma_wait3A_17 : memref<20480x128xf32, #tpu.memory_space<hbm>>) dst(%arg6 : memref<448x128xf32, #tpu.memory_space<vmem>>)
      "tpu.region"() ({
        %run_scoped3A = tpu.sem_alloc : memref<!tpu.dma_semaphore, #tpu.memory_space<semaphore_mem>>
        %dma_start3A_19 = arith.constant 0 : i32
        %dma_start3A_20 = tpu.memref_slice %arg4[%add3A_13, %dma_start3A_19] : memref<143360x128xf32, #tpu.memory_space<hbm>> -> memref<448x128xf32, #tpu.memory_space<hbm>>
        %dma_start3A_21 = arith.constant 0 : i32
        %dma_start3A_22 = tpu.memref_slice %arg4[%add3A_13, %dma_start3A_21] : memref<143360x128xf32, #tpu.memory_space<hbm>> -> memref<448x128xf32, #tpu.memory_space<hbm>>
        tpu.enqueue_dma source(%arg6 : memref<448x128xf32, #tpu.memory_space<vmem>>) target(%dma_start3A_22 : memref<448x128xf32, #tpu.memory_space<hbm>>) target_semaphore(%run_scoped3A : memref<!tpu.dma_semaphore, #tpu.memory_space<semaphore_mem>>)
        %dma_wait3A_23 = arith.constant 0 : i32
        %dma_wait3A_24 = tpu.memref_slice %arg4[%add3A_13, %dma_wait3A_23] : memref<143360x128xf32, #tpu.memory_space<hbm>> -> memref<448x128xf32, #tpu.memory_space<hbm>>
        %dma_wait3A_25 = arith.constant 0 : i32
        %dma_wait3A_26 = tpu.memref_slice %arg4[%add3A_13, %dma_wait3A_25] : memref<143360x128xf32, #tpu.memory_space<hbm>> -> memref<448x128xf32, #tpu.memory_space<hbm>>
        tpu.wait_dma2 semaphore(%run_scoped3A : memref<!tpu.dma_semaphore, #tpu.memory_space<semaphore_mem>>) src(%arg6 : memref<448x128xf32, #tpu.memory_space<vmem>>) dst(%dma_wait3A_26 : memref<448x128xf32, #tpu.memory_space<hbm>>)
        tpu.yield
      }) : () -> ()
      %scan3A_18 = arith.constant 0 : i32
      scf.yield %scan3A_18 : i32
    }
    %scan3A_8 = arith.constant 10 : i32
    return
  }
}

#map = affine_map<(d0, d1) -> (0, 0)>
#map1 = affine_map<(d0, d1) -> (0)>
module attributes {stable_mosaic.version = 14 : i64} {
  func.func @_sc_scatter_body(%arg0: i32, %arg1: i32, %arg2: memref<20480x128xf32, #tpu.memory_space<hbm>>, %arg3: memref<20480xi32, #tpu.memory_space<hbm>>, %arg4: memref<20480x128xf32, #tpu.memory_space<hbm>>, %arg5: memref<640xi32, #tpu.memory_space<vmem>>, %arg6: memref<640x128xf32, #tpu.memory_space<vmem>>, %arg7: memref<!tpu.dma_semaphore, #tpu.memory_space<semaphore_mem>>) attributes {dimension_semantics = [#tpu.dimension_semantics<core_parallel>, #tpu.dimension_semantics<subcore_parallel>], iteration_bounds = array<i64: 2, 16>, scalar_prefetch = 0 : i64, scratch_operands = 3 : i64, tpu.core_type = #tpu.core_type<sc_vector_subcore>, window_params = [{transform_indices = #map}, {transform_indices = #map1}, {transform_indices = #map}]} {
    %mul3A = arith.constant 2 : i32
    %mul3A_0 = arith.muli %arg1, %mul3A : i32
    %add3A = arith.addi %mul3A_0, %arg0 : i32
    %mul3A_1 = arith.constant 640 : i32
    %mul3A_2 = arith.muli %add3A, %mul3A_1 : i32
    %scan3A = arith.constant 0 : i32
    %scan3A_3 = arith.constant 0 : i32
    %mul3A_4 = arith.constant 640 : i32
    %mul3A_5 = arith.muli %scan3A_3, %mul3A_4 : i32
    %add3A_6 = arith.addi %mul3A_2, %mul3A_5 : i32
    "tpu.region"() ({
      %run_scoped3A = tpu.sem_alloc : memref<!tpu.dma_semaphore, #tpu.memory_space<semaphore_mem>>
      %dma_start3A_13 = tpu.memref_slice %arg3[%add3A_6] : memref<20480xi32, #tpu.memory_space<hbm>> -> memref<640xi32, #tpu.memory_space<hbm>>
      %dma_start3A_14 = tpu.memref_slice %arg3[%add3A_6] : memref<20480xi32, #tpu.memory_space<hbm>> -> memref<640xi32, #tpu.memory_space<hbm>>
      tpu.enqueue_dma source(%dma_start3A_14 : memref<640xi32, #tpu.memory_space<hbm>>) target(%arg5 : memref<640xi32, #tpu.memory_space<vmem>>) target_semaphore(%run_scoped3A : memref<!tpu.dma_semaphore, #tpu.memory_space<semaphore_mem>>)
      %dma_wait3A_15 = tpu.memref_slice %arg3[%add3A_6] : memref<20480xi32, #tpu.memory_space<hbm>> -> memref<640xi32, #tpu.memory_space<hbm>>
      %dma_wait3A_16 = tpu.memref_slice %arg3[%add3A_6] : memref<20480xi32, #tpu.memory_space<hbm>> -> memref<640xi32, #tpu.memory_space<hbm>>
      tpu.wait_dma2 semaphore(%run_scoped3A : memref<!tpu.dma_semaphore, #tpu.memory_space<semaphore_mem>>) src(%dma_wait3A_16 : memref<640xi32, #tpu.memory_space<hbm>>) dst(%arg5 : memref<640xi32, #tpu.memory_space<vmem>>)
      tpu.yield
    }) : () -> ()
    "tpu.region"() ({
      %run_scoped3A = tpu.sem_alloc : memref<!tpu.dma_semaphore, #tpu.memory_space<semaphore_mem>>
      %dma_start3A_13 = arith.constant 0 : i32
      %dma_start3A_14 = tpu.memref_slice %arg2[%add3A_6, %dma_start3A_13] : memref<20480x128xf32, #tpu.memory_space<hbm>> -> memref<640x128xf32, #tpu.memory_space<hbm>>
      %dma_start3A_15 = arith.constant 0 : i32
      %dma_start3A_16 = tpu.memref_slice %arg2[%add3A_6, %dma_start3A_15] : memref<20480x128xf32, #tpu.memory_space<hbm>> -> memref<640x128xf32, #tpu.memory_space<hbm>>
      tpu.enqueue_dma source(%dma_start3A_16 : memref<640x128xf32, #tpu.memory_space<hbm>>) target(%arg6 : memref<640x128xf32, #tpu.memory_space<vmem>>) target_semaphore(%run_scoped3A : memref<!tpu.dma_semaphore, #tpu.memory_space<semaphore_mem>>)
      %dma_wait3A_17 = arith.constant 0 : i32
      %dma_wait3A_18 = tpu.memref_slice %arg2[%add3A_6, %dma_wait3A_17] : memref<20480x128xf32, #tpu.memory_space<hbm>> -> memref<640x128xf32, #tpu.memory_space<hbm>>
      %dma_wait3A_19 = arith.constant 0 : i32
      %dma_wait3A_20 = tpu.memref_slice %arg2[%add3A_6, %dma_wait3A_19] : memref<20480x128xf32, #tpu.memory_space<hbm>> -> memref<640x128xf32, #tpu.memory_space<hbm>>
      tpu.wait_dma2 semaphore(%run_scoped3A : memref<!tpu.dma_semaphore, #tpu.memory_space<semaphore_mem>>) src(%dma_wait3A_20 : memref<640x128xf32, #tpu.memory_space<hbm>>) dst(%arg6 : memref<640x128xf32, #tpu.memory_space<vmem>>)
      tpu.yield
    }) : () -> ()
    %dma_start3A = arith.constant 0 : i32
    %dma_start3A_7 = arith.constant 0 : i32
    %dma_start3A_8 = tpu.memref_slice %arg4[%dma_start3A, %dma_start3A_7] : memref<20480x128xf32, #tpu.memory_space<hbm>> -> memref<20480x128xf32, #tpu.memory_space<hbm>>
    tpu.enqueue_indirect_dma source(%arg6 : memref<640x128xf32, #tpu.memory_space<vmem>>) target(%dma_start3A_8 : memref<20480x128xf32, #tpu.memory_space<hbm>>) offsets(%arg5 : memref<640xi32, #tpu.memory_space<vmem>>) semaphore(%arg7 : memref<!tpu.dma_semaphore, #tpu.memory_space<semaphore_mem>>)
    %dma_wait3A = arith.constant 0 : i32
    %dma_wait3A_9 = arith.constant 0 : i32
    %dma_wait3A_10 = tpu.memref_slice %arg4[%dma_wait3A, %dma_wait3A_9] : memref<20480x128xf32, #tpu.memory_space<hbm>> -> memref<20480x128xf32, #tpu.memory_space<hbm>>
    tpu.wait_indirect_dma semaphore(%arg7 : memref<!tpu.dma_semaphore, #tpu.memory_space<semaphore_mem>>) src(%arg6 : memref<640x128xf32, #tpu.memory_space<vmem>>) dst(%dma_wait3A_10 : memref<20480x128xf32, #tpu.memory_space<hbm>>)
    %scan3A_11 = arith.constant 0 : i32
    %scan3A_12 = arith.constant 1 : i32
    return
  }
}

#map = affine_map<(d0, d1) -> (0, 0)>
#map1 = affine_map<(d0, d1) -> (0)>
module attributes {stable_mosaic.version = 14 : i64} {
  func.func @_sc_gather_body(%arg0: i32, %arg1: i32, %arg2: memref<20480x128xf32, #tpu.memory_space<hbm>>, %arg3: memref<57344xi32, #tpu.memory_space<hbm>>, %arg4: memref<57344x128xf32, #tpu.memory_space<hbm>>, %arg5: memref<448xi32, #tpu.memory_space<vmem>>, %arg6: memref<448x128xf32, #tpu.memory_space<vmem>>, %arg7: memref<!tpu.dma_semaphore, #tpu.memory_space<semaphore_mem>>) attributes {dimension_semantics = [#tpu.dimension_semantics<core_parallel>, #tpu.dimension_semantics<subcore_parallel>], iteration_bounds = array<i64: 2, 16>, scalar_prefetch = 0 : i64, scratch_operands = 3 : i64, tpu.core_type = #tpu.core_type<sc_vector_subcore>, window_params = [{transform_indices = #map}, {transform_indices = #map1}, {transform_indices = #map}]} {
    %mul3A = arith.constant 2 : i32
    %mul3A_0 = arith.muli %arg1, %mul3A : i32
    %add3A = arith.addi %mul3A_0, %arg0 : i32
    %mul3A_1 = arith.constant 1792 : i32
    %mul3A_2 = arith.muli %add3A, %mul3A_1 : i32
    %scan3A = arith.constant 0 : i32
    %scan3A_3 = arith.constant 0 : i32
    %scan3A_4 = arith.constant 4 : i32
    %scan3A_5 = arith.addi %scan3A_3, %scan3A_4 : i32
    %scan3A_6 = arith.constant 1 : i32
    %scan3A_7 = scf.for %scan3A_9 = %scan3A_3 to %scan3A_5 step %scan3A_6 iter_args(%scan3A_10 = %scan3A) -> (i32)  : i32 {
      %mul3A_11 = arith.constant 448 : i32
      %mul3A_12 = arith.muli %scan3A_9, %mul3A_11 : i32
      %add3A_13 = arith.addi %mul3A_2, %mul3A_12 : i32
      "tpu.region"() ({
        %run_scoped3A = tpu.sem_alloc : memref<!tpu.dma_semaphore, #tpu.memory_space<semaphore_mem>>
        %dma_start3A_19 = tpu.memref_slice %arg3[%add3A_13] : memref<57344xi32, #tpu.memory_space<hbm>> -> memref<448xi32, #tpu.memory_space<hbm>>
        %dma_start3A_20 = tpu.memref_slice %arg3[%add3A_13] : memref<57344xi32, #tpu.memory_space<hbm>> -> memref<448xi32, #tpu.memory_space<hbm>>
        tpu.enqueue_dma source(%dma_start3A_20 : memref<448xi32, #tpu.memory_space<hbm>>) target(%arg5 : memref<448xi32, #tpu.memory_space<vmem>>) target_semaphore(%run_scoped3A : memref<!tpu.dma_semaphore, #tpu.memory_space<semaphore_mem>>)
        %dma_wait3A_21 = tpu.memref_slice %arg3[%add3A_13] : memref<57344xi32, #tpu.memory_space<hbm>> -> memref<448xi32, #tpu.memory_space<hbm>>
        %dma_wait3A_22 = tpu.memref_slice %arg3[%add3A_13] : memref<57344xi32, #tpu.memory_space<hbm>> -> memref<448xi32, #tpu.memory_space<hbm>>
        tpu.wait_dma2 semaphore(%run_scoped3A : memref<!tpu.dma_semaphore, #tpu.memory_space<semaphore_mem>>) src(%dma_wait3A_22 : memref<448xi32, #tpu.memory_space<hbm>>) dst(%arg5 : memref<448xi32, #tpu.memory_space<vmem>>)
        tpu.yield
      }) : () -> ()
      %dma_start3A = arith.constant 0 : i32
      %dma_start3A_14 = arith.constant 0 : i32
      %dma_start3A_15 = tpu.memref_slice %arg2[%dma_start3A, %dma_start3A_14] : memref<20480x128xf32, #tpu.memory_space<hbm>> -> memref<20480x128xf32, #tpu.memory_space<hbm>>
      tpu.enqueue_indirect_dma source(%dma_start3A_15 : memref<20480x128xf32, #tpu.memory_space<hbm>>) target(%arg6 : memref<448x128xf32, #tpu.memory_space<vmem>>) offsets(%arg5 : memref<448xi32, #tpu.memory_space<vmem>>) semaphore(%arg7 : memref<!tpu.dma_semaphore, #tpu.memory_space<semaphore_mem>>)
      %dma_wait3A = arith.constant 0 : i32
      %dma_wait3A_16 = arith.constant 0 : i32
      %dma_wait3A_17 = tpu.memref_slice %arg2[%dma_wait3A, %dma_wait3A_16] : memref<20480x128xf32, #tpu.memory_space<hbm>> -> memref<20480x128xf32, #tpu.memory_space<hbm>>
      tpu.wait_indirect_dma semaphore(%arg7 : memref<!tpu.dma_semaphore, #tpu.memory_space<semaphore_mem>>) src(%dma_wait3A_17 : memref<20480x128xf32, #tpu.memory_space<hbm>>) dst(%arg6 : memref<448x128xf32, #tpu.memory_space<vmem>>)
      "tpu.region"() ({
        %run_scoped3A = tpu.sem_alloc : memref<!tpu.dma_semaphore, #tpu.memory_space<semaphore_mem>>
        %dma_start3A_19 = arith.constant 0 : i32
        %dma_start3A_20 = tpu.memref_slice %arg4[%add3A_13, %dma_start3A_19] : memref<57344x128xf32, #tpu.memory_space<hbm>> -> memref<448x128xf32, #tpu.memory_space<hbm>>
        %dma_start3A_21 = arith.constant 0 : i32
        %dma_start3A_22 = tpu.memref_slice %arg4[%add3A_13, %dma_start3A_21] : memref<57344x128xf32, #tpu.memory_space<hbm>> -> memref<448x128xf32, #tpu.memory_space<hbm>>
        tpu.enqueue_dma source(%arg6 : memref<448x128xf32, #tpu.memory_space<vmem>>) target(%dma_start3A_22 : memref<448x128xf32, #tpu.memory_space<hbm>>) target_semaphore(%run_scoped3A : memref<!tpu.dma_semaphore, #tpu.memory_space<semaphore_mem>>)
        %dma_wait3A_23 = arith.constant 0 : i32
        %dma_wait3A_24 = tpu.memref_slice %arg4[%add3A_13, %dma_wait3A_23] : memref<57344x128xf32, #tpu.memory_space<hbm>> -> memref<448x128xf32, #tpu.memory_space<hbm>>
        %dma_wait3A_25 = arith.constant 0 : i32
        %dma_wait3A_26 = tpu.memref_slice %arg4[%add3A_13, %dma_wait3A_25] : memref<57344x128xf32, #tpu.memory_space<hbm>> -> memref<448x128xf32, #tpu.memory_space<hbm>>
        tpu.wait_dma2 semaphore(%run_scoped3A : memref<!tpu.dma_semaphore, #tpu.memory_space<semaphore_mem>>) src(%arg6 : memref<448x128xf32, #tpu.memory_space<vmem>>) dst(%dma_wait3A_26 : memref<448x128xf32, #tpu.memory_space<hbm>>)
        tpu.yield
      }) : () -> ()
      %scan3A_18 = arith.constant 0 : i32
      scf.yield %scan3A_18 : i32
    }
    %scan3A_8 = arith.constant 4 : i32
    return
  }
}

module attributes {stable_mosaic.version = 14 : i64} {
  func.func @_conv_body(%arg0: i32, %arg1: i32, %arg2: memref<1x512x896xf32, #tpu.memory_space<vmem>>, %arg3: memref<896x128xf32, #tpu.memory_space<vmem>>, %arg4: memref<1x128x512xf32, #tpu.memory_space<vmem>>) attributes {dimension_semantics = [#tpu.dimension_semantics<arbitrary>, #tpu.dimension_semantics<arbitrary>], iteration_bounds = array<i64: 2, 20>, scalar_prefetch = 0 : i64, scratch_operands = 0 : i64, tpu.core_type = #tpu.core_type<tc>, window_params = [{transform_indices = @transform_0, window_bounds = array<i64: 1, 512, 896>}, {pipeline_mode = #tpu.pipeline_mode<synchronous>, transform_indices = @transform_1, window_bounds = array<i64: 896, 128>}, {transform_indices = @transform_2, window_bounds = array<i64: 1, 128, 512>}]} {
    %get3A = arith.constant 0 : index
    %get3A_0 = arith.constant 0 : index
    %get3A_1 = vector.load %arg3[%get3A, %get3A_0] : memref<896x128xf32, #tpu.memory_space<vmem>>, vector<896x128xf32>
    %get3A_2 = arith.constant 0 : index
    %get3A_3 = arith.constant 0 : index
    %get3A_4 = arith.constant 0 : index
    %get3A_5 = vector.load %arg2[%get3A_2, %get3A_3, %get3A_4] : memref<1x512x896xf32, #tpu.memory_space<vmem>>, vector<1x512x896xf32>
    %get3A_6 = vector.shape_cast %get3A_5 : vector<1x512x896xf32> to vector<512x896xf32>
    %dot_general3A = arith.constant dense<0.000000e+00> : vector<128x512xf32>
    %dot_general3A_7 = tpu.matmul %get3A_1, %get3A_6, %dot_general3A {dimension_numbers = #tpu.dot_dimension_numbers<[0], [1], [1], [0], [0, 1, 1, 0], [], []>, transpose_lhs_hint = false} : vector<896x128xf32>, vector<512x896xf32>, vector<128x512xf32> -> vector<128x512xf32>
    %swap3A = arith.constant 0 : index
    %swap3A_8 = arith.constant 0 : index
    %swap3A_9 = arith.constant 0 : index
    %swap3A_10 = vector.load %arg4[%swap3A, %swap3A_8, %swap3A_9] : memref<1x128x512xf32, #tpu.memory_space<vmem>>, vector<1x128x512xf32>
    %swap3A_11 = vector.shape_cast %swap3A_10 : vector<1x128x512xf32> to vector<128x512xf32>
    %swap3A_12 = vector.shape_cast %dot_general3A_7 : vector<128x512xf32> to vector<1x128x512xf32>
    tpu.vector_store %arg4[%swap3A, %swap3A_8, %swap3A_9], %swap3A_12 {strides = array<i32>} : memref<1x128x512xf32, #tpu.memory_space<vmem>>, vector<1x128x512xf32>,
    return
  }
  func.func @transform_0(%arg0: i32, %arg1: i32) -> (i32, i32, i32) {
    %c0_i32 = arith.constant 0 : i32
    %c0_i32_0 = arith.constant 0 : i32
    return %arg0, %arg1, %c0_i32 : i32, i32, i32
  }
  func.func @transform_1(%arg0: i32, %arg1: i32) -> (i32, i32) {
    %c0_i32 = arith.constant 0 : i32
    %c0_i32_0 = arith.constant 0 : i32
    %c0_i32_1 = arith.constant 0 : i32
    return %c0_i32, %c0_i32_0 : i32, i32
  }
  func.func @transform_2(%arg0: i32, %arg1: i32) -> (i32, i32, i32) {
    %c0_i32 = arith.constant 0 : i32
    %c0_i32_0 = arith.constant 0 : i32
    return %arg0, %c0_i32, %arg1 : i32, i32, i32
  }
}

module attributes {stable_mosaic.version = 14 : i64} {
  func.func @_stats_body(%arg0: i32, %arg1: memref<1x128x10240xf32, #tpu.memory_space<vmem>>, %arg2: memref<1x128x10240xf32, #tpu.memory_space<vmem>>, %arg3: memref<1x1x10240xf32, #tpu.memory_space<vmem>>) attributes {dimension_semantics = [#tpu.dimension_semantics<arbitrary>], iteration_bounds = array<i64: 2>, scalar_prefetch = 0 : i64, scratch_operands = 0 : i64, tpu.core_type = #tpu.core_type<tc>, window_params = [{transform_indices = @transform_0, window_bounds = array<i64: 1, 128, 10240>}, {transform_indices = @transform_1, window_bounds = array<i64: 1, 128, 10240>}, {transform_indices = @transform_2, window_bounds = array<i64: 1, 1, 10240>}]} {
    %get3A = arith.constant 0 : index
    %get3A_0 = arith.constant 0 : index
    %get3A_1 = arith.constant 0 : index
    %get3A_2 = vector.load %arg1[%get3A, %get3A_0, %get3A_1] : memref<1x128x10240xf32, #tpu.memory_space<vmem>>, vector<1x128x10240xf32>
    %get3A_3 = vector.shape_cast %get3A_2 : vector<1x128x10240xf32> to vector<128x10240xf32>
    %iota3A = tpu.iota {dimensions = array<i32: 1>} : vector<1x10240xi32>
    %lt3A = arith.constant 10000 : i32
    %lt3A_4 = vector.broadcast %lt3A : i32 to vector<1x10240xi32>
    %lt3A_5 = arith.cmpi slt, %iota3A, %lt3A_4 : vector<1x10240xi32>
    %jit3A = arith.constant 0.000000e+00 : f32
    %broadcast_in_dim3A = vector.shape_cast %lt3A_5 : vector<1x10240xi1> to vector<1x10240xi1>
    %broadcast_in_dim3A_6 = vector.broadcast %broadcast_in_dim3A : vector<1x10240xi1> to vector<128x10240xi1>
    %broadcast_in_dim3A_7 = vector.broadcast %jit3A : f32 to vector<128x10240xf32>
    %select_n3A = arith.select %broadcast_in_dim3A_6, %get3A_3, %broadcast_in_dim3A_7 : vector<128x10240xi1>, vector<128x10240xf32>
    %reduce_sum3A = arith.constant dense<0.000000e+00> : vector<128xf32>
    %reduce_sum3A_8 = vector.multi_reduction <add>, %select_n3A, %reduce_sum3A [1] : vector<128x10240xf32> to vector<128xf32>
    %div3A = arith.constant 1.000000e+04 : f32
    %div3A_9 = vector.broadcast %div3A : f32 to vector<128xf32>
    %div3A_10 = arith.divf %reduce_sum3A_8, %div3A_9 : vector<128xf32>
    %broadcast_in_dim3A_11 = vector.shape_cast %div3A_10 : vector<128xf32> to vector<128x1xf32>
    %sub3A = vector.broadcast %broadcast_in_dim3A_11 : vector<128x1xf32> to vector<128x10240xf32>
    %sub3A_12 = arith.subf %get3A_3, %sub3A : vector<128x10240xf32>
    %jit3A_13 = arith.constant 0.000000e+00 : f32
    %broadcast_in_dim3A_14 = vector.shape_cast %lt3A_5 : vector<1x10240xi1> to vector<1x10240xi1>
    %broadcast_in_dim3A_15 = vector.broadcast %broadcast_in_dim3A_14 : vector<1x10240xi1> to vector<128x10240xi1>
    %broadcast_in_dim3A_16 = vector.broadcast %jit3A_13 : f32 to vector<128x10240xf32>
    %select_n3A_17 = arith.select %broadcast_in_dim3A_15, %sub3A_12, %broadcast_in_dim3A_16 : vector<128x10240xi1>, vector<128x10240xf32>
    %mul3A = arith.mulf %select_n3A_17, %select_n3A_17 : vector<128x10240xf32>
    %reduce_sum3A_18 = arith.constant dense<0.000000e+00> : vector<128xf32>
    %reduce_sum3A_19 = vector.multi_reduction <add>, %mul3A, %reduce_sum3A_18 [1] : vector<128x10240xf32> to vector<128xf32>
    %div3A_20 = arith.constant 1.000000e+04 : f32
    %div3A_21 = vector.broadcast %div3A_20 : f32 to vector<128xf32>
    %div3A_22 = arith.divf %reduce_sum3A_19, %div3A_21 : vector<128xf32>
    %add3A = arith.constant 9.99999974E-6 : f32
    %add3A_23 = vector.broadcast %add3A : f32 to vector<128xf32>
    %add3A_24 = arith.addf %div3A_22, %add3A_23 : vector<128xf32>
    %sqrt3A = math.sqrt %add3A_24 : vector<128xf32>
    %broadcast_in_dim3A_25 = vector.shape_cast %div3A_10 : vector<128xf32> to vector<128x1xf32>
    %sub3A_26 = vector.broadcast %broadcast_in_dim3A_25 : vector<128x1xf32> to vector<128x10240xf32>
    %sub3A_27 = arith.subf %get3A_3, %sub3A_26 : vector<128x10240xf32>
    %broadcast_in_dim3A_28 = vector.shape_cast %sqrt3A : vector<128xf32> to vector<128x1xf32>
    %div3A_29 = vector.broadcast %broadcast_in_dim3A_28 : vector<128x1xf32> to vector<128x10240xf32>
    %div3A_30 = arith.divf %sub3A_27, %div3A_29 : vector<128x10240xf32>
    %max3A = arith.constant 0.000000e+00 : f32
    %max3A_31 = vector.broadcast %max3A : f32 to vector<128x10240xf32>
    %max3A_32 = arith.maximumf %div3A_30, %max3A_31 : vector<128x10240xf32>
    %swap3A = arith.constant 0 : index
    %swap3A_33 = arith.constant 0 : index
    %swap3A_34 = arith.constant 0 : index
    %swap3A_35 = vector.load %arg2[%swap3A, %swap3A_33, %swap3A_34] : memref<1x128x10240xf32, #tpu.memory_space<vmem>>, vector<1x128x10240xf32>
    %swap3A_36 = vector.shape_cast %swap3A_35 : vector<1x128x10240xf32> to vector<128x10240xf32>
    %swap3A_37 = vector.shape_cast %max3A_32 : vector<128x10240xf32> to vector<1x128x10240xf32>
    tpu.vector_store %arg2[%swap3A, %swap3A_33, %swap3A_34], %swap3A_37 {strides = array<i32>} : memref<1x128x10240xf32, #tpu.memory_space<vmem>>, vector<1x128x10240xf32>,
    %mul3A_38 = arith.mulf %max3A_32, %max3A_32 : vector<128x10240xf32>
    %reduce_sum3A_39 = arith.constant dense<0.000000e+00> : vector<10240xf32>
    %reduce_sum3A_40 = vector.multi_reduction <add>, %mul3A_38, %reduce_sum3A_39 [0] : vector<128x10240xf32> to vector<10240xf32>
    %broadcast_in_dim3A_41 = vector.shape_cast %reduce_sum3A_40 : vector<10240xf32> to vector<1x10240xf32>
    %sqrt3A_42 = math.sqrt %broadcast_in_dim3A_41 : vector<1x10240xf32>
    %jit3A_43 = arith.constant -1.000000e+00 : f32
    %broadcast_in_dim3A_44 = vector.broadcast %jit3A_43 : f32 to vector<1x10240xf32>
    %select_n3A_45 = arith.select %lt3A_5, %sqrt3A_42, %broadcast_in_dim3A_44 : vector<1x10240xi1>, vector<1x10240xf32>
    %swap3A_46 = arith.constant 0 : index
    %swap3A_47 = arith.constant 0 : index
    %swap3A_48 = arith.constant 0 : index
    %swap3A_49 = vector.load %arg3[%swap3A_46, %swap3A_47, %swap3A_48] : memref<1x1x10240xf32, #tpu.memory_space<vmem>>, vector<1x1x10240xf32>
    %swap3A_50 = vector.shape_cast %swap3A_49 : vector<1x1x10240xf32> to vector<1x10240xf32>
    %swap3A_51 = vector.shape_cast %select_n3A_45 : vector<1x10240xf32> to vector<1x1x10240xf32>
    tpu.vector_store %arg3[%swap3A_46, %swap3A_47, %swap3A_48], %swap3A_51 {strides = array<i32>} : memref<1x1x10240xf32, #tpu.memory_space<vmem>>, vector<1x1x10240xf32>,
    return
  }
  func.func @transform_0(%arg0: i32) -> (i32, i32, i32) {
    %c0_i32 = arith.constant 0 : i32
    %c0_i32_0 = arith.constant 0 : i32
    %c0_i32_1 = arith.constant 0 : i32
    return %arg0, %c0_i32, %c0_i32_0 : i32, i32, i32
  }
  func.func @transform_1(%arg0: i32) -> (i32, i32, i32) {
    %c0_i32 = arith.constant 0 : i32
    %c0_i32_0 = arith.constant 0 : i32
    %c0_i32_1 = arith.constant 0 : i32
    return %arg0, %c0_i32, %c0_i32_0 : i32, i32, i32
  }
  func.func @transform_2(%arg0: i32) -> (i32, i32, i32) {
    %c0_i32 = arith.constant 0 : i32
    %c0_i32_0 = arith.constant 0 : i32
    %c0_i32_1 = arith.constant 0 : i32
    return %arg0, %c0_i32, %c0_i32_0 : i32, i32, i32
  }
}

module attributes {stable_mosaic.version = 14 : i64} {
  func.func @_conv_body(%arg0: i32, %arg1: i32, %arg2: memref<1x512x896xf32, #tpu.memory_space<vmem>>, %arg3: memref<896x256xf32, #tpu.memory_space<vmem>>, %arg4: memref<1x256x512xf32, #tpu.memory_space<vmem>>) attributes {dimension_semantics = [#tpu.dimension_semantics<arbitrary>, #tpu.dimension_semantics<arbitrary>], iteration_bounds = array<i64: 2, 8>, scalar_prefetch = 0 : i64, scratch_operands = 0 : i64, tpu.core_type = #tpu.core_type<tc>, window_params = [{transform_indices = @transform_0, window_bounds = array<i64: 1, 512, 896>}, {pipeline_mode = #tpu.pipeline_mode<synchronous>, transform_indices = @transform_1, window_bounds = array<i64: 896, 256>}, {transform_indices = @transform_2, window_bounds = array<i64: 1, 256, 512>}]} {
    %get3A = arith.constant 0 : index
    %get3A_0 = arith.constant 0 : index
    %get3A_1 = vector.load %arg3[%get3A, %get3A_0] : memref<896x256xf32, #tpu.memory_space<vmem>>, vector<896x256xf32>
    %get3A_2 = arith.constant 0 : index
    %get3A_3 = arith.constant 0 : index
    %get3A_4 = arith.constant 0 : index
    %get3A_5 = vector.load %arg2[%get3A_2, %get3A_3, %get3A_4] : memref<1x512x896xf32, #tpu.memory_space<vmem>>, vector<1x512x896xf32>
    %get3A_6 = vector.shape_cast %get3A_5 : vector<1x512x896xf32> to vector<512x896xf32>
    %dot_general3A = arith.constant dense<0.000000e+00> : vector<256x512xf32>
    %dot_general3A_7 = tpu.matmul %get3A_1, %get3A_6, %dot_general3A {dimension_numbers = #tpu.dot_dimension_numbers<[0], [1], [1], [0], [0, 1, 1, 0], [], []>, transpose_lhs_hint = false} : vector<896x256xf32>, vector<512x896xf32>, vector<256x512xf32> -> vector<256x512xf32>
    %swap3A = arith.constant 0 : index
    %swap3A_8 = arith.constant 0 : index
    %swap3A_9 = arith.constant 0 : index
    %swap3A_10 = vector.load %arg4[%swap3A, %swap3A_8, %swap3A_9] : memref<1x256x512xf32, #tpu.memory_space<vmem>>, vector<1x256x512xf32>
    %swap3A_11 = vector.shape_cast %swap3A_10 : vector<1x256x512xf32> to vector<256x512xf32>
    %swap3A_12 = vector.shape_cast %dot_general3A_7 : vector<256x512xf32> to vector<1x256x512xf32>
    tpu.vector_store %arg4[%swap3A, %swap3A_8, %swap3A_9], %swap3A_12 {strides = array<i32>} : memref<1x256x512xf32, #tpu.memory_space<vmem>>, vector<1x256x512xf32>,
    return
  }
  func.func @transform_0(%arg0: i32, %arg1: i32) -> (i32, i32, i32) {
    %c0_i32 = arith.constant 0 : i32
    %c0_i32_0 = arith.constant 0 : i32
    return %arg0, %arg1, %c0_i32 : i32, i32, i32
  }
  func.func @transform_1(%arg0: i32, %arg1: i32) -> (i32, i32) {
    %c0_i32 = arith.constant 0 : i32
    %c0_i32_0 = arith.constant 0 : i32
    %c0_i32_1 = arith.constant 0 : i32
    return %c0_i32, %c0_i32_0 : i32, i32
  }
  func.func @transform_2(%arg0: i32, %arg1: i32) -> (i32, i32, i32) {
    %c0_i32 = arith.constant 0 : i32
    %c0_i32_0 = arith.constant 0 : i32
    return %arg0, %c0_i32, %arg1 : i32, i32, i32
  }
}

module attributes {stable_mosaic.version = 14 : i64} {
  func.func @_stats_body(%arg0: i32, %arg1: memref<1x256x4096xf32, #tpu.memory_space<vmem>>, %arg2: memref<1x256x4096xf32, #tpu.memory_space<vmem>>, %arg3: memref<1x1x4096xf32, #tpu.memory_space<vmem>>) attributes {dimension_semantics = [#tpu.dimension_semantics<arbitrary>], iteration_bounds = array<i64: 2>, scalar_prefetch = 0 : i64, scratch_operands = 0 : i64, tpu.core_type = #tpu.core_type<tc>, window_params = [{transform_indices = @transform_0, window_bounds = array<i64: 1, 256, 4096>}, {transform_indices = @transform_1, window_bounds = array<i64: 1, 256, 4096>}, {transform_indices = @transform_2, window_bounds = array<i64: 1, 1, 4096>}]} {
    %get3A = arith.constant 0 : index
    %get3A_0 = arith.constant 0 : index
    %get3A_1 = arith.constant 0 : index
    %get3A_2 = vector.load %arg1[%get3A, %get3A_0, %get3A_1] : memref<1x256x4096xf32, #tpu.memory_space<vmem>>, vector<1x256x4096xf32>
    %get3A_3 = vector.shape_cast %get3A_2 : vector<1x256x4096xf32> to vector<256x4096xf32>
    %iota3A = tpu.iota {dimensions = array<i32: 1>} : vector<1x4096xi32>
    %lt3A = arith.constant 4096 : i32
    %lt3A_4 = vector.broadcast %lt3A : i32 to vector<1x4096xi32>
    %lt3A_5 = arith.cmpi slt, %iota3A, %lt3A_4 : vector<1x4096xi32>
    %jit3A = arith.constant 0.000000e+00 : f32
    %broadcast_in_dim3A = vector.shape_cast %lt3A_5 : vector<1x4096xi1> to vector<1x4096xi1>
    %broadcast_in_dim3A_6 = vector.broadcast %broadcast_in_dim3A : vector<1x4096xi1> to vector<256x4096xi1>
    %broadcast_in_dim3A_7 = vector.broadcast %jit3A : f32 to vector<256x4096xf32>
    %select_n3A = arith.select %broadcast_in_dim3A_6, %get3A_3, %broadcast_in_dim3A_7 : vector<256x4096xi1>, vector<256x4096xf32>
    %reduce_sum3A = arith.constant dense<0.000000e+00> : vector<256xf32>
    %reduce_sum3A_8 = vector.multi_reduction <add>, %select_n3A, %reduce_sum3A [1] : vector<256x4096xf32> to vector<256xf32>
    %div3A = arith.constant 4.096000e+03 : f32
    %div3A_9 = vector.broadcast %div3A : f32 to vector<256xf32>
    %div3A_10 = arith.divf %reduce_sum3A_8, %div3A_9 : vector<256xf32>
    %broadcast_in_dim3A_11 = vector.shape_cast %div3A_10 : vector<256xf32> to vector<256x1xf32>
    %sub3A = vector.broadcast %broadcast_in_dim3A_11 : vector<256x1xf32> to vector<256x4096xf32>
    %sub3A_12 = arith.subf %get3A_3, %sub3A : vector<256x4096xf32>
    %jit3A_13 = arith.constant 0.000000e+00 : f32
    %broadcast_in_dim3A_14 = vector.shape_cast %lt3A_5 : vector<1x4096xi1> to vector<1x4096xi1>
    %broadcast_in_dim3A_15 = vector.broadcast %broadcast_in_dim3A_14 : vector<1x4096xi1> to vector<256x4096xi1>
    %broadcast_in_dim3A_16 = vector.broadcast %jit3A_13 : f32 to vector<256x4096xf32>
    %select_n3A_17 = arith.select %broadcast_in_dim3A_15, %sub3A_12, %broadcast_in_dim3A_16 : vector<256x4096xi1>, vector<256x4096xf32>
    %mul3A = arith.mulf %select_n3A_17, %select_n3A_17 : vector<256x4096xf32>
    %reduce_sum3A_18 = arith.constant dense<0.000000e+00> : vector<256xf32>
    %reduce_sum3A_19 = vector.multi_reduction <add>, %mul3A, %reduce_sum3A_18 [1] : vector<256x4096xf32> to vector<256xf32>
    %div3A_20 = arith.constant 4.096000e+03 : f32
    %div3A_21 = vector.broadcast %div3A_20 : f32 to vector<256xf32>
    %div3A_22 = arith.divf %reduce_sum3A_19, %div3A_21 : vector<256xf32>
    %add3A = arith.constant 9.99999974E-6 : f32
    %add3A_23 = vector.broadcast %add3A : f32 to vector<256xf32>
    %add3A_24 = arith.addf %div3A_22, %add3A_23 : vector<256xf32>
    %sqrt3A = math.sqrt %add3A_24 : vector<256xf32>
    %broadcast_in_dim3A_25 = vector.shape_cast %div3A_10 : vector<256xf32> to vector<256x1xf32>
    %sub3A_26 = vector.broadcast %broadcast_in_dim3A_25 : vector<256x1xf32> to vector<256x4096xf32>
    %sub3A_27 = arith.subf %get3A_3, %sub3A_26 : vector<256x4096xf32>
    %broadcast_in_dim3A_28 = vector.shape_cast %sqrt3A : vector<256xf32> to vector<256x1xf32>
    %div3A_29 = vector.broadcast %broadcast_in_dim3A_28 : vector<256x1xf32> to vector<256x4096xf32>
    %div3A_30 = arith.divf %sub3A_27, %div3A_29 : vector<256x4096xf32>
    %max3A = arith.constant 0.000000e+00 : f32
    %max3A_31 = vector.broadcast %max3A : f32 to vector<256x4096xf32>
    %max3A_32 = arith.maximumf %div3A_30, %max3A_31 : vector<256x4096xf32>
    %swap3A = arith.constant 0 : index
    %swap3A_33 = arith.constant 0 : index
    %swap3A_34 = arith.constant 0 : index
    %swap3A_35 = vector.load %arg2[%swap3A, %swap3A_33, %swap3A_34] : memref<1x256x4096xf32, #tpu.memory_space<vmem>>, vector<1x256x4096xf32>
    %swap3A_36 = vector.shape_cast %swap3A_35 : vector<1x256x4096xf32> to vector<256x4096xf32>
    %swap3A_37 = vector.shape_cast %max3A_32 : vector<256x4096xf32> to vector<1x256x4096xf32>
    tpu.vector_store %arg2[%swap3A, %swap3A_33, %swap3A_34], %swap3A_37 {strides = array<i32>} : memref<1x256x4096xf32, #tpu.memory_space<vmem>>, vector<1x256x4096xf32>,
    %mul3A_38 = arith.mulf %max3A_32, %max3A_32 : vector<256x4096xf32>
    %reduce_sum3A_39 = arith.constant dense<0.000000e+00> : vector<4096xf32>
    %reduce_sum3A_40 = vector.multi_reduction <add>, %mul3A_38, %reduce_sum3A_39 [0] : vector<256x4096xf32> to vector<4096xf32>
    %broadcast_in_dim3A_41 = vector.shape_cast %reduce_sum3A_40 : vector<4096xf32> to vector<1x4096xf32>
    %sqrt3A_42 = math.sqrt %broadcast_in_dim3A_41 : vector<1x4096xf32>
    %jit3A_43 = arith.constant -1.000000e+00 : f32
    %broadcast_in_dim3A_44 = vector.broadcast %jit3A_43 : f32 to vector<1x4096xf32>
    %select_n3A_45 = arith.select %lt3A_5, %sqrt3A_42, %broadcast_in_dim3A_44 : vector<1x4096xi1>, vector<1x4096xf32>
    %swap3A_46 = arith.constant 0 : index
    %swap3A_47 = arith.constant 0 : index
    %swap3A_48 = arith.constant 0 : index
    %swap3A_49 = vector.load %arg3[%swap3A_46, %swap3A_47, %swap3A_48] : memref<1x1x4096xf32, #tpu.memory_space<vmem>>, vector<1x1x4096xf32>
    %swap3A_50 = vector.shape_cast %swap3A_49 : vector<1x1x4096xf32> to vector<1x4096xf32>
    %swap3A_51 = vector.shape_cast %select_n3A_45 : vector<1x4096xf32> to vector<1x1x4096xf32>
    tpu.vector_store %arg3[%swap3A_46, %swap3A_47, %swap3A_48], %swap3A_51 {strides = array<i32>} : memref<1x1x4096xf32, #tpu.memory_space<vmem>>, vector<1x1x4096xf32>,
    return
  }
  func.func @transform_0(%arg0: i32) -> (i32, i32, i32) {
    %c0_i32 = arith.constant 0 : i32
    %c0_i32_0 = arith.constant 0 : i32
    %c0_i32_1 = arith.constant 0 : i32
    return %arg0, %c0_i32, %c0_i32_0 : i32, i32, i32
  }
  func.func @transform_1(%arg0: i32) -> (i32, i32, i32) {
    %c0_i32 = arith.constant 0 : i32
    %c0_i32_0 = arith.constant 0 : i32
    %c0_i32_1 = arith.constant 0 : i32
    return %arg0, %c0_i32, %c0_i32_0 : i32, i32, i32
  }
  func.func @transform_2(%arg0: i32) -> (i32, i32, i32) {
    %c0_i32 = arith.constant 0 : i32
    %c0_i32_0 = arith.constant 0 : i32
    %c0_i32_1 = arith.constant 0 : i32
    return %arg0, %c0_i32, %c0_i32_0 : i32, i32, i32
  }
}

module attributes {stable_mosaic.version = 14 : i64} {
  func.func @_final_body(%arg0: i32, %arg1: memref<1x256x4096xf32, #tpu.memory_space<vmem>>, %arg2: memref<1x1x4096xf32, #tpu.memory_space<vmem>>, %arg3: memref<1x4096x1xf32, #tpu.memory_space<vmem>>, %arg4: memref<256x128xf32, #tpu.memory_space<vmem>>, %arg5: memref<1x128xf32, #tpu.memory_space<vmem>>, %arg6: memref<1x1x128xf32, #tpu.memory_space<vmem>>) attributes {dimension_semantics = [#tpu.dimension_semantics<arbitrary>], iteration_bounds = array<i64: 2>, scalar_prefetch = 0 : i64, scratch_operands = 0 : i64, tpu.core_type = #tpu.core_type<tc>, window_params = [{transform_indices = @transform_0, window_bounds = array<i64: 1, 256, 4096>}, {transform_indices = @transform_1, window_bounds = array<i64: 1, 1, 4096>}, {transform_indices = @transform_2, window_bounds = array<i64: 1, 4096, 1>}, {pipeline_mode = #tpu.pipeline_mode<synchronous>, transform_indices = @transform_3, window_bounds = array<i64: 256, 128>}, {pipeline_mode = #tpu.pipeline_mode<synchronous>, transform_indices = @transform_4, window_bounds = array<i64: 1, 128>}, {transform_indices = @transform_5, window_bounds = array<i64: 1, 1, 128>}]} {
    %broadcast_in_dim3A = arith.constant -3.000000e+38 : f32
    %broadcast_in_dim3A_0 = vector.broadcast %broadcast_in_dim3A : f32 to vector<256x1xf32>
    %scan3A = arith.constant 0 : i32
    %scan3A_1 = arith.constant 8 : i32
    %scan3A_2 = arith.addi %scan3A, %scan3A_1 : i32
    %scan3A_3 = arith.constant 1 : i32
    %scan3A_4 = scf.for %scan3A_38 = %scan3A to %scan3A_2 step %scan3A_3 iter_args(%scan3A_39 = %broadcast_in_dim3A_0) -> (vector<256x1xf32>)  : i32 {
      %mul3A_40 = arith.constant 512 : i32
      %mul3A_41 = arith.muli %scan3A_38, %mul3A_40 : i32
      %get3A_42 = arith.constant 0 : index
      %get3A_43 = arith.constant 0 : index
      %get3A_44 = arith.index_cast %mul3A_41 : i32 to index
      %get3A_45 = vector.load %arg2[%get3A_42, %get3A_43, %get3A_44] : memref<1x1x4096xf32, #tpu.memory_space<vmem>>, vector<1x1x512xf32>
      %get3A_46 = vector.shape_cast %get3A_45 : vector<1x1x512xf32> to vector<1x512xf32>
      %mul3A_47 = arith.constant 512 : i32
      %mul3A_48 = arith.muli %scan3A_38, %mul3A_47 : i32
      %iota3A = tpu.iota {dimensions = array<i32: 1>} : vector<512x512xi32>
      %add3A_49 = vector.broadcast %mul3A_48 : i32 to vector<512x512xi32>
      %add3A_50 = arith.addi %add3A_49, %iota3A : vector<512x512xi32>
      %broadcast_in_dim3A_51 = arith.constant 0 : i32
      %broadcast_in_dim3A_52 = vector.broadcast %broadcast_in_dim3A_51 : i32 to vector<1x512xi32>
      %scan3A_53 = arith.constant 0 : i32
      %scan3A_54 = arith.constant 8 : i32
      %scan3A_55 = arith.addi %scan3A_53, %scan3A_54 : i32
      %scan3A_56 = arith.constant 1 : i32
      %scan3A_57 = scf.for %scan3A_73 = %scan3A_53 to %scan3A_55 step %scan3A_56 iter_args(%scan3A_74 = %broadcast_in_dim3A_52) -> (vector<1x512xi32>)  : i32 {
        %mul3A_75 = arith.constant 512 : i32
        %mul3A_76 = arith.muli %scan3A_73, %mul3A_75 : i32
        %get3A_77 = arith.constant 0 : index
        %get3A_78 = arith.index_cast %mul3A_76 : i32 to index
        %get3A_79 = arith.constant 0 : index
        %get3A_80 = vector.load %arg3[%get3A_77, %get3A_78, %get3A_79] : memref<1x4096x1xf32, #tpu.memory_space<vmem>>, vector<1x512x1xf32>
        %get3A_81 = vector.shape_cast %get3A_80 : vector<1x512x1xf32> to vector<512x1xf32>
        %mul3A_82 = arith.constant 512 : i32
        %mul3A_83 = arith.muli %scan3A_73, %mul3A_82 : i32
        %iota3A_84 = tpu.iota {dimensions = array<i32: 0>} : vector<512x512xi32>
        %add3A_85 = vector.broadcast %mul3A_83 : i32 to vector<512x512xi32>
        %add3A_86 = arith.addi %add3A_85, %iota3A_84 : vector<512x512xi32>
        %gt3A = vector.broadcast %get3A_81 : vector<512x1xf32> to vector<512x512xf32>
        %gt3A_87 = vector.broadcast %get3A_46 : vector<1x512xf32> to vector<512x512xf32>
        %gt3A_88 = arith.cmpf ogt, %gt3A, %gt3A_87 : vector<512x512xf32>
        %eq3A = vector.broadcast %get3A_81 : vector<512x1xf32> to vector<512x512xf32>
        %eq3A_89 = vector.broadcast %get3A_46 : vector<1x512xf32> to vector<512x512xf32>
        %eq3A_90 = arith.cmpf oeq, %eq3A, %eq3A_89 : vector<512x512xf32>
        %lt3A_91 = arith.cmpi slt, %add3A_86, %add3A_50 : vector<512x512xi32>
        %and3A = arith.andi %eq3A_90, %lt3A_91 : vector<512x512xi1>
        %or3A = arith.ori %gt3A_88, %and3A : vector<512x512xi1>
        %jit3A_92 = arith.constant 1 : i32
        %jit3A_93 = arith.constant 0 : i32
        %broadcast_in_dim3A_94 = vector.broadcast %jit3A_92 : i32 to vector<512x512xi32>
        %broadcast_in_dim3A_95 = vector.broadcast %jit3A_93 : i32 to vector<512x512xi32>
        %select_n3A_96 = arith.select %or3A, %broadcast_in_dim3A_94, %broadcast_in_dim3A_95 : vector<512x512xi1>, vector<512x512xi32>
        %reduce_sum3A_97 = arith.constant dense<0> : vector<512xi32>
        %reduce_sum3A_98 = vector.multi_reduction <add>, %select_n3A_96, %reduce_sum3A_97 [0] : vector<512x512xi32> to vector<512xi32>
        %broadcast_in_dim3A_99 = vector.shape_cast %reduce_sum3A_98 : vector<512xi32> to vector<1x512xi32>
        %add3A_100 = arith.addi %scan3A_74, %broadcast_in_dim3A_99 : vector<1x512xi32>
        scf.yield %add3A_100 : vector<1x512xi32>
      }
      %scan3A_58 = arith.constant 8 : i32
      %lt3A = arith.constant 1024 : i32
      %lt3A_59 = vector.broadcast %lt3A : i32 to vector<1x512xi32>
      %lt3A_60 = arith.cmpi slt, %scan3A_57, %lt3A_59 : vector<1x512xi32>
      %mul3A_61 = arith.constant 512 : i32
      %mul3A_62 = arith.muli %scan3A_38, %mul3A_61 : i32
      %get3A_63 = arith.constant 0 : index
      %get3A_64 = arith.constant 0 : index
      %get3A_65 = arith.index_cast %mul3A_62 : i32 to index
      %get3A_66 = vector.load %arg1[%get3A_63, %get3A_64, %get3A_65] : memref<1x256x4096xf32, #tpu.memory_space<vmem>>, vector<1x256x512xf32>
      %get3A_67 = vector.shape_cast %get3A_66 : vector<1x256x512xf32> to vector<256x512xf32>
      %jit3A = arith.constant -3.000000e+38 : f32
      %broadcast_in_dim3A_68 = vector.shape_cast %lt3A_60 : vector<1x512xi1> to vector<1x512xi1>
      %broadcast_in_dim3A_69 = vector.broadcast %broadcast_in_dim3A_68 : vector<1x512xi1> to vector<256x512xi1>
      %broadcast_in_dim3A_70 = vector.broadcast %jit3A : f32 to vector<256x512xf32>
      %select_n3A = arith.select %broadcast_in_dim3A_69, %get3A_67, %broadcast_in_dim3A_70 : vector<256x512xi1>, vector<256x512xf32>
      %reduce_max3A = arith.constant dense<0xFF800000> : vector<256xf32>
      %reduce_max3A_71 = vector.multi_reduction <maximumf>, %select_n3A, %reduce_max3A [1] : vector<256x512xf32> to vector<256xf32>
      %broadcast_in_dim3A_72 = vector.shape_cast %reduce_max3A_71 : vector<256xf32> to vector<256x1xf32>
      %max3A = arith.maximumf %scan3A_39, %broadcast_in_dim3A_72 : vector<256x1xf32>
      scf.yield %max3A : vector<256x1xf32>
    }
    %scan3A_5 = arith.constant 8 : i32
    %get3A = arith.constant 0 : index
    %get3A_6 = arith.constant 0 : index
    %get3A_7 = vector.load %arg4[%get3A, %get3A_6] : memref<256x128xf32, #tpu.memory_space<vmem>>, vector<256x128xf32>
    %dot_general3A = arith.constant dense<0.000000e+00> : vector<1x128xf32>
    %dot_general3A_8 = tpu.matmul %scan3A_4, %get3A_7, %dot_general3A {dimension_numbers = #tpu.dot_dimension_numbers<[0], [0], [1], [1], [0, 1, 1, 1], [], []>, transpose_lhs_hint = false} : vector<256x1xf32>, vector<256x128xf32>, vector<1x128xf32> -> vector<1x128xf32>
    %get3A_9 = arith.constant 0 : index
    %get3A_10 = arith.constant 0 : index
    %get3A_11 = vector.load %arg5[%get3A_9, %get3A_10] : memref<1x128xf32, #tpu.memory_space<vmem>>, vector<1x128xf32>
    %add3A = arith.addf %dot_general3A_8, %get3A_11 : vector<1x128xf32>
    %reduce_sum3A = vector.shape_cast %add3A : vector<1x128xf32> to vector<1x1x128xf32>
    %reduce_sum3A_12 = arith.constant dense<0.000000e+00> : vector<1xf32>
    %reduce_sum3A_13 = vector.multi_reduction <add>, %reduce_sum3A, %reduce_sum3A_12 [1, 2] : vector<1x1x128xf32> to vector<1xf32>
    %reduce_sum3A_14 = vector.shape_cast %reduce_sum3A_13 : vector<1xf32> to vector<1x1x1xf32>
    %reduce_sum3A_15 = vector.extract %reduce_sum3A_14[0, 0, 0] : f32 from vector<1x1x1xf32>
    %div3A = arith.constant 1.280000e+02 : f32
    %div3A_16 = arith.divf %reduce_sum3A_15, %div3A : f32
    %sub3A = vector.broadcast %div3A_16 : f32 to vector<1x128xf32>
    %sub3A_17 = arith.subf %add3A, %sub3A : vector<1x128xf32>
    %sub3A_18 = vector.broadcast %div3A_16 : f32 to vector<1x128xf32>
    %sub3A_19 = arith.subf %add3A, %sub3A_18 : vector<1x128xf32>
    %mul3A = arith.mulf %sub3A_17, %sub3A_19 : vector<1x128xf32>
    %reduce_sum3A_20 = vector.shape_cast %mul3A : vector<1x128xf32> to vector<1x1x128xf32>
    %reduce_sum3A_21 = arith.constant dense<0.000000e+00> : vector<1xf32>
    %reduce_sum3A_22 = vector.multi_reduction <add>, %reduce_sum3A_20, %reduce_sum3A_21 [1, 2] : vector<1x1x128xf32> to vector<1xf32>
    %reduce_sum3A_23 = vector.shape_cast %reduce_sum3A_22 : vector<1xf32> to vector<1x1x1xf32>
    %reduce_sum3A_24 = vector.extract %reduce_sum3A_23[0, 0, 0] : f32 from vector<1x1x1xf32>
    %div3A_25 = arith.constant 1.280000e+02 : f32
    %div3A_26 = arith.divf %reduce_sum3A_24, %div3A_25 : f32
    %sub3A_27 = vector.broadcast %div3A_16 : f32 to vector<1x128xf32>
    %sub3A_28 = arith.subf %add3A, %sub3A_27 : vector<1x128xf32>
    %add3A_29 = arith.constant 9.99999974E-6 : f32
    %add3A_30 = arith.addf %div3A_26, %add3A_29 : f32
    %sqrt3A = math.sqrt %add3A_30 : f32
    %div3A_31 = vector.broadcast %sqrt3A : f32 to vector<1x128xf32>
    %div3A_32 = arith.divf %sub3A_28, %div3A_31 : vector<1x128xf32>
    %swap3A = arith.constant 0 : index
    %swap3A_33 = arith.constant 0 : index
    %swap3A_34 = arith.constant 0 : index
    %swap3A_35 = vector.load %arg6[%swap3A, %swap3A_33, %swap3A_34] : memref<1x1x128xf32, #tpu.memory_space<vmem>>, vector<1x1x128xf32>
    %swap3A_36 = vector.shape_cast %swap3A_35 : vector<1x1x128xf32> to vector<1x128xf32>
    %swap3A_37 = vector.shape_cast %div3A_32 : vector<1x128xf32> to vector<1x1x128xf32>
    tpu.vector_store %arg6[%swap3A, %swap3A_33, %swap3A_34], %swap3A_37 {strides = array<i32>} : memref<1x1x128xf32, #tpu.memory_space<vmem>>, vector<1x1x128xf32>,
    return
  }
  func.func @transform_0(%arg0: i32) -> (i32, i32, i32) {
    %c0_i32 = arith.constant 0 : i32
    %c0_i32_0 = arith.constant 0 : i32
    %c0_i32_1 = arith.constant 0 : i32
    return %arg0, %c0_i32, %c0_i32_0 : i32, i32, i32
  }
  func.func @transform_1(%arg0: i32) -> (i32, i32, i32) {
    %c0_i32 = arith.constant 0 : i32
    %c0_i32_0 = arith.constant 0 : i32
    %c0_i32_1 = arith.constant 0 : i32
    return %arg0, %c0_i32, %c0_i32_0 : i32, i32, i32
  }
  func.func @transform_2(%arg0: i32) -> (i32, i32, i32) {
    %c0_i32 = arith.constant 0 : i32
    %c0_i32_0 = arith.constant 0 : i32
    %c0_i32_1 = arith.constant 0 : i32
    return %arg0, %c0_i32, %c0_i32_0 : i32, i32, i32
  }
  func.func @transform_3(%arg0: i32) -> (i32, i32) {
    %c0_i32 = arith.constant 0 : i32
    %c0_i32_0 = arith.constant 0 : i32
    %c0_i32_1 = arith.constant 0 : i32
    return %c0_i32, %c0_i32_0 : i32, i32
  }
  func.func @transform_4(%arg0: i32) -> (i32, i32) {
    %c0_i32 = arith.constant 0 : i32
    %c0_i32_0 = arith.constant 0 : i32
    %c0_i32_1 = arith.constant 0 : i32
    return %c0_i32, %c0_i32_0 : i32, i32
  }
  func.func @transform_5(%arg0: i32) -> (i32, i32, i32) {
    %c0_i32 = arith.constant 0 : i32
    %c0_i32_0 = arith.constant 0 : i32
    %c0_i32_1 = arith.constant 0 : i32
    return %arg0, %c0_i32, %c0_i32_0 : i32, i32, i32
  }
}

</mosaic_0001>

<sc_bundles>
// kernel: kernel.10.cloned.1.call-start
scs
__scs_entry_jumppad:
0x0: {  	(pc) =	sbr.rel $0x88, $3  }
0x1: {  	(tag) =	ssettag $0x0;
	lr =	simm.s32 $0x1  }
0x2: {  	[smem:$0x3F99] =	sst lr;
	_ =	strace $0xD0000000  }
0x3: {  	_ = 	snop  }
0x4: {  	_ = 	snop  }
0x5: {  	_ = 	snop  }
0x6: {  	_ = 	snop  }
0x7: {  	_ = 	snop  }
__scs_overlays_trampoline_lowered:
0x8: {  	[smem:$0x3FA8] =	sst s0  }
0x9: {  	[smem:$0x3FA9] =	sst s1  }
0xa: {  	[smem:$0x3FAA] =	sst s2  }
0xb: {  	[smem:$0x3FAB] =	sst s3  }
0xc: {  	[smem:$0x3FAC] =	sst s4  }
0xd: {  	[smem:$0x3FAD] =	sst s5  }
0xe: {  	[smem:$0x3FAE] =	sst s6  }
0xf: {  	[smem:$0x3FAF] =	sst s7  }
0x10: {  	[smem:$0x3FB0] =	sst s8  }
0x11: {  	[smem:$0x3FB1] =	sst s9;
	s0 =	simm.s32 @!p0 $0x0  }
0x12: {  	s1 =	sld [smem:$0x3F97];
	s0 =	simm.s32 @p0 $0x1  }
0x13: {  	[smem:$0x3FB2] =	sst s0;
	s0 =	simm.s32 @!p1 $0x0  }
0x14: {  	s2 =	sld [smem:$0x3F96];
	s0 =	simm.s32 @p1 $0x1  }
0x15: {  	[smem:$0x3FB3] =	sst s0;
	s0 =	simm.s32 @!p2 $0x0  }
0x16: {  	s3 =	sld [smem:$0x3FDB];
	s0 =	simm.s32 @p2 $0x1  }
0x17: {  	s4 =	simm.s32 $0x1BF5;
	[smem:$0x3FB5] =	sst s0  }
0x18: {  	s0 =	sld [smem:$0x3F98];
	_ =	swait.ge [sflag:s4], $0x0  }
0x19: {  	s7 =	sld [smem:$0x3F99]  }
0x1a: {  	s8 =	sadd.s32 $0xFFFFE003, lr  }
0x1b: {  	s9 =	sadd.s32 $0xFFFFFEF7, lr;
	s5 =	simm.s32 $0xFFFFFFFF;
	p2 =	slt.u32 s8, $0xFFFFF086  }
0x1c: {  	p1 =	slt.u32 s9, $0xF7A;
	s5 =	simm.s32 @!p2 $0x0  }
0x1d: {  	s5 =	simm.s32 @p1 $0x1;
	p0 =	seq.s32 s7, s2  }
0x1e: {  	s7 =	smul.u32 @!p0 $0xF7A, s2;
	p2 =	seq.s32 @!p0 s5, $0x0  }
0x1f: {  	s9 =	smul.u32 $0xF7A, s1;
	s8 =	simm.s32 @!p0 $0x1BF5;
	p2 =	por !p2, p0  }
0x20: {  	[sflag:s8] =	ssyncset.s32 @!p0 $0xFFFFF086;
	s6 =	sadd.s32 @!p0 s3, s7;
	s7 =	simm.s32 @!p0 $0x108  }
0x21: {  	s3 =	sadd.s32 s3, s9;
	s6 =	sadd.s32 @!p0 $0x88, s6;
	s7 =	simm.s32 @p2 $0x1082  }
0x22: {  	[simem:s7], [sflag:s8] =	dma.local @!p0 [hbm:s6], $0xF7A  }
0x23: {  	s9 =	sor.u32 $0xD0000000, s2;
	s6 =	simm.s32 $0x108;
	_ =	swait.ge @!p0 [sflag:s8], $0x0  }
0x24: {  	s3 =	sadd.s32 $0x88, s3;
	s6 =	simm.s32 @!p1 $0x1082;
	[sflag:s4] =	ssyncset.s32 $0xFFFFF086  }
0x25: {  	[simem:s6], [sflag:s4] =	dma.local [hbm:s3], $0xF7A  }
0x26: {  	[smem:$0x3F99] =	sst s1;
	(tag) =	ssettag s2;
	_ =	strace s9  }
0x27: {  	s1 =	sld [smem:$0x3FA9]  }
0x28: {  	s2 =	sld [smem:$0x3FAA]  }
0x29: {  	s4 =	sld [smem:$0x3FAC]  }
0x2a: {  	p0 =	seq.s32 s5, $0x0;
	s5 =	sld [smem:$0x3FAD]  }
0x2b: {  	s6 =	sld [smem:$0x3FAE]  }
0x2c: {  	s7 =	sld [smem:$0x3FAF]  }
0x2d: {  	s3 =	simm.s32 $0x108;
	s8 =	sld [smem:$0x3FB0]  }
0x2e: {  	s3 =	simm.s32 @!p0 $0x1082;
	s9 =	sld [smem:$0x3FB1]  }
0x2f: {  	lr =	sadd.s32 s0, s3;
	s0 =	sld [smem:$0x3FA8]  }
0x30: {  	s3 =	sld [smem:$0x3FAB]  }
0x31: {  	[smem:$0x3FB4] =	sst s10  }
0x32: {  	s10 =	sld [smem:$0x3FB2];
	_ =	sdelay $0x3  }
0x33: {  	p0 =	seq.s32 s10, $0x1;
	s10 =	sld [smem:$0x3FB4];
	_ =	sdelay $0x3  }
0x34: {  	[smem:$0x3FB4] =	sst s10  }
0x35: {  	s10 =	sld [smem:$0x3FB3];
	_ =	sdelay $0x3  }
0x36: {  	p1 =	seq.s32 s10, $0x1;
	s10 =	sld [smem:$0x3FB4];
	_ =	sdelay $0x3  }
0x37: {  	[smem:$0x3FB4] =	sst s10  }
0x38: {  	s10 =	sld [smem:$0x3FB5]  }
0x39: {  	_ = 	snop;
	(pc) =	sbr.ind lr, $3  }
0x3a: {  	_ = 	snop  }
0x3b: {  	_ = 	snop  }
0x3c: {  	p2 =	seq.s32 s10, $0x1;
	s10 =	sld [smem:$0x3FB4]  }
0x3d: {  	_ =	shalt  }
0x3e: {  	_ =	shalt  }
0x3f: {  	_ =	shalt  }
0x40: {  	_ =	shalt  }
0x41: {  	_ =	shalt  }
0x42: {  	_ =	shalt  }
0x43: {  	_ =	shalt  }
0x44: {  	_ =	shalt  }
0x45: {  	_ =	shalt  }
0x46: {  	_ =	shalt  }
0x47: {  	_ =	shalt  }
0x48: {  	_ =	shalt  }
0x49: {  	_ =	shalt  }
0x4a: {  	_ =	shalt  }
0x4b: {  	_ =	shalt  }
0x4c: {  	_ =	shalt  }
0x4d: {  	_ =	shalt  }
0x4e: {  	_ =	shalt  }
0x4f: {  	_ =	shalt  }
0x50: {  	_ =	shalt  }
0x51: {  	_ =	shalt  }
0x52: {  	_ =	shalt  }
0x53: {  	_ =	shalt  }
0x54: {  	_ =	shalt  }
0x55: {  	_ =	shalt  }
0x56: {  	_ =	shalt  }
0x57: {  	_ =	shalt  }
0x58: {  	_ =	shalt  }
0x59: {  	_ =	shalt  }
0x5a: {  	_ =	shalt  }
0x5b: {  	_ =	shalt  }
0x5c: {  	_ =	shalt  }
0x5d: {  	_ =	shalt  }
0x5e: {  	_ =	shalt  }
0x5f: {  	_ =	shalt  }
0x60: {  	_ =	shalt  }
0x61: {  	_ =	shalt  }
0x62: {  	_ =	shalt  }
0x63: {  	_ =	shalt  }
0x64: {  	_ =	shalt  }
0x65: {  	_ =	shalt  }
0x66: {  	_ =	shalt  }
0x67: {  	_ =	shalt  }
0x68: {  	_ =	shalt  }
0x69: {  	_ =	shalt  }
0x6a: {  	_ =	shalt  }
0x6b: {  	_ =	shalt  }
0x6c: {  	_ =	shalt  }
0x6d: {  	_ =	shalt  }
0x6e: {  	_ =	shalt  }
0x6f: {  	_ =	shalt  }
0x70: {  	_ =	shalt  }
0x71: {  	_ =	shalt  }
0x72: {  	_ =	shalt  }
0x73: {  	_ =	shalt  }
0x74: {  	_ =	shalt  }
0x75: {  	_ =	shalt  }
0x76: {  	_ =	shalt  }
0x77: {  	_ =	shalt  }
0x78: {  	_ =	shalt  }
0x79: {  	_ =	shalt  }
0x7a: {  	_ =	shalt  }
0x7b: {  	_ =	shalt  }
0x7c: {  	_ =	shalt  }
0x7d: {  	_ =	shalt  }
0x7e: {  	_ =	shalt  }
0x7f: {  	_ =	shalt  }
0x80: {  	_ =	shalt  }
0x81: {  	_ =	shalt  }
0x82: {  	_ =	shalt  }
0x83: {  	_ =	shalt  }
0x84: {  	_ =	shalt  }
0x85: {  	_ =	shalt  }
0x86: {  	_ =	shalt  }
0x87: {  	_ =	shalt  }
.Lfunc_end0:
.L_simem_size_0:
called_computation.1_lowered:
.L_overlay_start_0:
0x88: {  	s2 =	sld [smem:$0x3FD9]  }
0x89: {  	s3 =	sld [smem:$0x3FFE];
	_ =	sdelay $0x1  }
0x8a: {  	s1 =	srdreg.scid  }
0x8b: {  	s0 =	sand.u32 $0x1, s1  }
0x8c: {  	s14 =	sshll.u32 s0, $0xA;
	s2 =	sadd.s32 s3, s2  }
0x8d: {  	s2 =	sadd.s32 s2, s14  }
0x8e: {  	[smem:$0x3FC0] =	sst s2  }
0x8f: {  	_ = 	snop  }
0x90: {  	s2 =	sld [smem:$0x3FD0];
	_ =	sdelay $0x2  }
0x91: {  	s15 =	simm.s32 $0xA;
	s4 =	simm.s32 $0x10  }
0x92: {  	[smem:s4], [sflag:s15] =	dma.local [hbm:s2], $0x1  }
0x93: {  	_ =	swait.eq [sflag:s15], $0x1  }
0x94: {  	[sflag:s15] =	ssyncset.done $0x0  }
0x95: {  	[sflag:s15] =	ssyncadd.s32 $0xFFFFFFFF  }
0x96: {  	s16 =	sld [smem:$0x12];
	(tm) =	ssettm $0x1  }
0x97: {  	s17 =	sld [smem:$0x3FFB];
	_ =	sdelay $0x3  }
0x98: {  	_ =	strace s17  }
0x99: {  	s3 =	sld [smem:$0x3FFC];
	_ =	sdelay $0x3  }
0x9a: {  	_ =	strace s3  }
0x9b: {  	s3 =	sld [smem:$0x3FFD];
	_ =	sdelay $0x3  }
0x9c: {  	_ =	strace s3  }
0x9d: {  	_ =	strace $0x8FFFFFFF  }
0x9e: {  	s18 =	sld [smem:$0x3FDB];
	_ =	sdelay $0x1  }
0x9f: {  	s19 =	simm.s32 $_scs_section_size  }
0xa0: {  	s5 =	simm.s32 $_size__tile_overlayer_lowered;
	s6 =	simm.s32 $_tile_overlayer_lowered  }
0xa1: {  	s22 =	simm.s32 $0x1BFF;
	s21 =	sshll.u32 s6, $0x1;
	s3 =	sadd.s32 s19, s18  }
0xa2: {  	s7 =	simm.s32 $0x0;
	s20 =	sshll.u32 s5, $0x1;
	s5 =	sadd.s32 s21, s3  }
0xa3: {  	[timem:s7], [sflag:s22] =	dma.local [hbm:s5], s20  }
0xa4: {  	_ =	swait.ge [sflag:s22], s20  }
0xa5: {  	s4 =	ssub.s32 $0x0, s20;
	[sflag:s22] =	ssyncset.done $0x0  }
0xa6: {  	[sflag:s22] =	ssyncadd.s32 s4;
	_ =	sdelay $0x1  }
0xa7: {  	s23 =	simm.s32 $0x1B8B  }
0xa8: {  	_ =	swait.ge [sflag:s23], $0x1  }
0xa9: {  	[sflag:s23] =	ssyncset.done $0x0  }
0xaa: {  	s25 =	simm.s32 $0x1B8E;
	s24 =	sld [smem:$0x3FFE];
	[sflag:s23] =	ssyncadd.s32 $0xFFFFFFFF  }
0xab: {  	s26 =	simm.s32 $execute0_lowered;
	[smem:$0x3FD2] =	sst s25  }
0xac: {  	s5 =	sshll.u32 s26, $0x1;
	_ =	strace $0x80000046;
	[dreg:$0x1] =	wrdreg $0xFFFFFFFF  }
0xad: {  	s28 =	simm.s32 $_size_execute0_lowered;
	s3 =	sadd.s32 s3, s5;
	[dreg:$0x0] =	wrdreg $0x0  }
0xae: {  	s5 =	sshll.u32 s28, $0x1;
	[dreg:$0x2] =	wrdreg s3  }
0xaf: {  	[dreg:$0x3] =	wrdreg s5  }
0xb0: {  	[dreg:$0x4] =	wrdreg $0xC0  }
0xb1: {  	_ =	task [dreg:s7], $0x5FFFF  }
0xb2: {  	[dreg:$0x1] =	wrdreg $0xFFFFFFFF  }
0xb3: {  	[dreg:$0x0] =	wrdreg $0x60  }
0xb4: {  	[dreg:$0x2] =	wrdreg s24  }
0xb5: {  	[dreg:$0x3] =	wrdreg s16  }
0xb6: {  	[dreg:$0x4] =	wrdreg $0x9  }
0xb7: {  	_ =	task.clear_ibuf [dreg:s7], $0x5FFFF;
	_ =	strace $0x90000046  }
0xb8: {  	s29 =	simm.s32 $0x9;
	_ =	strace $0x80000048  }
0xb9: {  	_ =	swait.ge [sflag:s29], $0x1  }
0xba: {  	[sflag:s29] =	ssyncadd.s32 $0xFFFFFFFF  }
0xbb: {  	_ =	strace $0x90000048  }
0xbc: {  	_ =	sfence  }
0xbd: {  	s30 =	sld [smem:$0x0];
	_ =	sdelay $0x2  }
0xbe: {  	s31 =	sshll.u32 s1, $0xD;
	s1 =	sshrl.u32 s1, $0x2  }
0xbf: {  	s3 =	sand.u32 $0x4000, s31;
	s1 =	sadd.s32 s1, s30  }
0xc0: {  	s0 =	sor.u32 s3, s0;
	s1 =	sshll.u32 s1, $0x11  }
0xc1: {  	s0 =	sor.u32 s1, s0  }
0xc2: {  	s0 =	sadd.s32 $0x8F2B, s0  }
0xc3: {  	[sflag:s0] =	ssyncadd.remote.s32 $0x1  }
0xc4: {  	_ =	sfence.sel $0xFFFF  }
0xc5: {  	[dreg:$0x0] =	wrdreg $0xFFFFFFFF;
	(pc) =	sbr.abs _section_cstart, $3  }
0xc6: {  	[dreg:$0x1] =	wrdreg $0xFFFFFFFF  }
0xc7: {  	_ =	task.clear_ibuf [dreg:s7], $0x2FFFF;
	_ =	strace $0x9FFFFFFF  }
0xc8: {  	(tm) =	ssettm $0x7FFFFFFF  }
0xc9: {  	_ =	shalt  }
tec
execute0_lowered:
.L_overlay_start_1:
0x0: {  	(tag) =	ssettag $0x1  }
0x1: {  	s0 =	stileid.u32;
	s2 =	rddreg [dreg:$0x0]  }
0x2: {  	s1 =	srdreg.scid;
	s6 =	rddreg [dreg:$0x1]  }
0x3: {  	s3 =	simm.s32 $0x0;
	s11 =	simm.s32 $0x0;
	s4 =	smul.u32 $0x23000, s0  }
0x4: {  	s5 =	sand.u32 $0x1, s1;
	s1 =	rddreg [dreg:$0x2];
	s8 =	smul.u32 $0x2300, s0  }
0x5: {  	[smem:$0x7FF] =	sst s3;
	s7 =	smul.u32 $0x11800, s5;
	s9 =	ssub.s32 $0x2, s5  }
0x6: {  	s5 =	smul.u32 $0x1180, s5;
	s4 =	sadd.s32 s4, s2;
	s10 =	sshrl.u32 s9, $0x1  }
0x7: {  	_ =	strace $0x80000047;
	s9 =	ssub.s32 s9, s10;
	s7 =	sadd.s32 s7, s4  }
0x8: {  	s8 =	sadd.s32 s5, s8;
	s10 =	simm.s32 $0x1;
	s4 =	smax.u32 s9, $0x1  }
0x9: {  	s5 =	sadd.s32 $0x50000, s7;
	s31 =	sshrl.u32 s8, $0x3;
	s7 =	simm.s32 $0x2  }
0xa: {  	s8 =	simm.s32 $0x1C0;
	s9 =	simm.s32 $0x200;
	s6 =	sadd.s32 s31, s6  }
.LBB2_1:
0xb: {  	s12 =	sadd.s32 $0x0, s6  }
0xc: {  	[tilespmem:s3], [sflag:$0x2] =	stream.linear.gather [hbm4b:s12+s3], $0x1C0, $0x38;
	[tilespmem:$0xE200] =	vst v63  }
0xd: {  	_ =	swait.ge [sflag:s7], $0x1C0  }
0xe: {  	[sflag:s7] =	ssyncset.done $0x0  }
0xf: {  	[sflag:s7] =	ssyncadd.s32 $0xFFFFFE40  }
0x10: {  	[tilespmem:s9], [sflag:$0x1] =	stream.indirect.gather [hbm4b:s2+s8], $0x80, s3, s8, $0xb8;
	[tilespmem:$0xE200] =	vst v63  }
0x11: {  	_ =	swait.ge [sflag:s10], $0xE000  }
0x12: {  	[sflag:s10] =	ssyncset.done $0x0  }
0x13: {  	[sflag:s10] =	ssyncadd.s32 $0xFFFF2000  }
0x14: {  	[hbm4b:s5+s3] =	stream.linear.scatter [tilespmem:s9], [sflag:$0x2], $0xE000, $0x38;
	[tilespmem:$0xE200] =	vst v63  }
0x15: {  	s13 =	simm.s32 $0x38;
	_ =	swait.ge [sflag:s7], $0xE000  }
0x16: {  	s14 =	simm.s32 $0x70;
	s12 =	sadd.s32 $0x1C00, s5;
	[sflag:s7] =	ssyncset.done $0x0  }
.LBB2_2:
0x17: {  	s15 =	sadd.s32 s13, s6  }
0x18: {  	[sflag:s7] =	ssyncadd.s32 $0xFFFF2000;
	s13 =	smov.u32 s14;
	s16 =	sadd.s32 $0x38, s14  }
0x19: {  	[tilespmem:s3], [sflag:$0x2] =	stream.linear.gather [hbm4b:s15+s3], $0x1C0, $0x38;
	[tilespmem:$0xE200] =	vst v63  }
0x1a: {  	p0 =	sne.s32 s14, $0x1F8;
	_ =	swait.ge [sflag:s7], $0x1C0  }
0x1b: {  	[sflag:s7] =	ssyncset.done $0x0  }
0x1c: {  	[sflag:s7] =	ssyncadd.s32 $0xFFFFFE40  }
0x1d: {  	[tilespmem:s9], [sflag:$0x1] =	stream.indirect.gather [hbm4b:s2+s8], $0x80, s3, s8, $0xb8;
	[tilespmem:$0xE200] =	vst v63  }
0x1e: {  	_ =	swait.ge [sflag:s10], $0xE000  }
.Ltmp0:
0x1f: {  	[sflag:s10] =	ssyncset.done $0x0;
	(pc) =	sbr.rel @p0 .LBB2_2-.Ltmp0, $4  }
0x20: {  	[sflag:s10] =	ssyncadd.s32 $0xFFFF2000  }
0x21: {  	[hbm4b:s12+s3] =	stream.linear.scatter [tilespmem:s9], [sflag:$0x2], $0xE000, $0x38;
	[tilespmem:$0xE200] =	vst v63  }
0x22: {  	_ =	swait.ge [sflag:s7], $0xE000  }
0x23: {  	s14 =	smov.u32 s16;
	s12 =	sadd.s32 $0x1C00, s12;
	[sflag:s7] =	ssyncset.done $0x0  }
0x24: {  	s13 =	sadd.s32 s13, s6;
	[sflag:s7] =	ssyncadd.s32 $0xFFFF2000  }
0x25: {  	[tilespmem:s3], [sflag:$0x2] =	stream.linear.gather [hbm4b:s13+s3], $0x1C0, $0x38;
	[tilespmem:$0xE200] =	vst v63  }
0x26: {  	_ =	swait.ge [sflag:s7], $0x1C0  }
0x27: {  	[sflag:s7] =	ssyncset.done $0x0  }
0x28: {  	[sflag:s7] =	ssyncadd.s32 $0xFFFFFE40  }
0x29: {  	[tilespmem:s9], [sflag:$0x1] =	stream.indirect.gather [hbm4b:s2+s8], $0x80, s3, s8, $0xb8;
	[tilespmem:$0xE200] =	vst v63  }
0x2a: {  	s11 =	sadd.s32 $0x1, s11;
	_ =	swait.ge [sflag:s10], $0xE000  }
0x2b: {  	p0 =	sne.s32 s11, s4;
	[sflag:s10] =	ssyncset.done $0x0  }
.Ltmp1:
0x2c: {  	[sflag:s10] =	ssyncadd.s32 $0xFFFF2000;
	(pc) =	sbr.rel @p0 .LBB2_1-.Ltmp1, $4  }
0x2d: {  	[hbm4b:s12+s3] =	stream.linear.scatter [tilespmem:s9], [sflag:$0x2], $0xE000, $0x38;
	[tilespmem:$0xE200] =	vst v63  }
0x2e: {  	_ =	swait.ge [sflag:s7], $0xE000  }
0x2f: {  	[sflag:s7] =	ssyncset.done $0x0  }
0x30: {  	[sflag:s7] =	ssyncadd.s32 $0xFFFF2000  }
0x31: {  	_ =	sfence.sel $0x180000  }
0x32: {  	[bflag:$0x0] =	sbarrier.arrive $0xFFFF  }
0x33: {  	p0 =	sne.s32 s0, $0x0;
	_ =	strace $0x90000047  }
0x34: {  	s0 =	sadd.s32 @!p0 $0x100000, s1;
	[bflag:$0x2] =	sbarrier.arrive $0xFFFF  }
0x35: {  	[sflag:s0] =	ssyncadd.tile.s32 @!p0 $0x1;
	_ =	shalt  }
.Lfunc_end2:
_tile_overlayer_lowered:
.L_overlay_start_2:
0x36: {  	(tag) =	ssettag $0x2  }
0x37: {  	s0 =	rddreg [dreg:$0x0];
	s2 =	stileid.u32  }
0x38: {  	s1 =	rddreg [dreg:$0x1];
	p0 =	sne.s32 s2, $0x0  }
0x39: {  	s3 =	rddreg [dreg:$0x2];
	[bflag:$0x3] =	sbarrier.arrive $0xFFFF;
	s2 =	simm.s32 @!p0 $0x1C02  }
0x3a: {  	[timem:s3], [sflag:s2] =	dma.local @!p0 [hbm:s0], s1  }
0x3b: {  	s0 =	simm.s32 @!p0 $0x2  }
0x3c: {  	_ =	swait.ge @!p0 [sflag:s0], s1  }
0x3d: {  	s1 =	ssub.s32 @!p0 $0x0, s1;
	[sflag:s0] =	ssyncset.done @!p0 $0x0  }
0x3e: {  	[sflag:s0] =	ssyncadd.s32 @!p0 s1  }
0x3f: {  	[bflag:$0x3] =	sbarrier.arrive $0xFFFF  }
0x40: {  	_ =	shalt  }

// kernel: kernel.13.cloned.1.call-start
scs
__scs_entry_jumppad:
0x0: {  	(pc) =	sbr.rel $0x88, $3  }
0x1: {  	(tag) =	ssettag $0x0;
	lr =	simm.s32 $0x1  }
0x2: {  	[smem:$0x3F99] =	sst lr;
	_ =	strace $0xD0000000  }
0x3: {  	_ = 	snop  }
0x4: {  	_ = 	snop  }
0x5: {  	_ = 	snop  }
0x6: {  	_ = 	snop  }
0x7: {  	_ = 	snop  }
__scs_overlays_trampoline_lowered:
0x8: {  	[smem:$0x3FA8] =	sst s0  }
0x9: {  	[smem:$0x3FA9] =	sst s1  }
0xa: {  	[smem:$0x3FAA] =	sst s2  }
0xb: {  	[smem:$0x3FAB] =	sst s3  }
0xc: {  	[smem:$0x3FAC] =	sst s4  }
0xd: {  	[smem:$0x3FAD] =	sst s5  }
0xe: {  	[smem:$0x3FAE] =	sst s6  }
0xf: {  	[smem:$0x3FAF] =	sst s7  }
0x10: {  	[smem:$0x3FB0] =	sst s8  }
0x11: {  	[smem:$0x3FB1] =	sst s9;
	s0 =	simm.s32 @!p0 $0x0  }
0x12: {  	s1 =	sld [smem:$0x3F97];
	s0 =	simm.s32 @p0 $0x1  }
0x13: {  	[smem:$0x3FB2] =	sst s0;
	s0 =	simm.s32 @!p1 $0x0  }
0x14: {  	s2 =	sld [smem:$0x3F96];
	s0 =	simm.s32 @p1 $0x1  }
0x15: {  	[smem:$0x3FB3] =	sst s0;
	s0 =	simm.s32 @!p2 $0x0  }
0x16: {  	s3 =	sld [smem:$0x3FDB];
	s0 =	simm.s32 @p2 $0x1  }
0x17: {  	s4 =	simm.s32 $0x1BF5;
	[smem:$0x3FB5] =	sst s0  }
0x18: {  	s0 =	sld [smem:$0x3F98];
	_ =	swait.ge [sflag:s4], $0x0  }
0x19: {  	s7 =	sld [smem:$0x3F99]  }
0x1a: {  	s8 =	sadd.s32 $0xFFFFE003, lr  }
0x1b: {  	s9 =	sadd.s32 $0xFFFFFEF7, lr;
	s5 =	simm.s32 $0xFFFFFFFF;
	p2 =	slt.u32 s8, $0xFFFFF086  }
0x1c: {  	p1 =	slt.u32 s9, $0xF7A;
	s5 =	simm.s32 @!p2 $0x0  }
0x1d: {  	s5 =	simm.s32 @p1 $0x1;
	p0 =	seq.s32 s7, s2  }
0x1e: {  	s7 =	smul.u32 @!p0 $0xF7A, s2;
	p2 =	seq.s32 @!p0 s5, $0x0  }
0x1f: {  	s9 =	smul.u32 $0xF7A, s1;
	s8 =	simm.s32 @!p0 $0x1BF5;
	p2 =	por !p2, p0  }
0x20: {  	[sflag:s8] =	ssyncset.s32 @!p0 $0xFFFFF086;
	s6 =	sadd.s32 @!p0 s3, s7;
	s7 =	simm.s32 @!p0 $0x108  }
0x21: {  	s3 =	sadd.s32 s3, s9;
	s6 =	sadd.s32 @!p0 $0x88, s6;
	s7 =	simm.s32 @p2 $0x1082  }
0x22: {  	[simem:s7], [sflag:s8] =	dma.local @!p0 [hbm:s6], $0xF7A  }
0x23: {  	s9 =	sor.u32 $0xD0000000, s2;
	s6 =	simm.s32 $0x108;
	_ =	swait.ge @!p0 [sflag:s8], $0x0  }
0x24: {  	s3 =	sadd.s32 $0x88, s3;
	s6 =	simm.s32 @!p1 $0x1082;
	[sflag:s4] =	ssyncset.s32 $0xFFFFF086  }
0x25: {  	[simem:s6], [sflag:s4] =	dma.local [hbm:s3], $0xF7A  }
0x26: {  	[smem:$0x3F99] =	sst s1;
	(tag) =	ssettag s2;
	_ =	strace s9  }
0x27: {  	s1 =	sld [smem:$0x3FA9]  }
0x28: {  	s2 =	sld [smem:$0x3FAA]  }
0x29: {  	s4 =	sld [smem:$0x3FAC]  }
0x2a: {  	p0 =	seq.s32 s5, $0x0;
	s5 =	sld [smem:$0x3FAD]  }
0x2b: {  	s6 =	sld [smem:$0x3FAE]  }
0x2c: {  	s7 =	sld [smem:$0x3FAF]  }
0x2d: {  	s3 =	simm.s32 $0x108;
	s8 =	sld [smem:$0x3FB0]  }
0x2e: {  	s3 =	simm.s32 @!p0 $0x1082;
	s9 =	sld [smem:$0x3FB1]  }
0x2f: {  	lr =	sadd.s32 s0, s3;
	s0 =	sld [smem:$0x3FA8]  }
0x30: {  	s3 =	sld [smem:$0x3FAB]  }
0x31: {  	[smem:$0x3FB4] =	sst s10  }
0x32: {  	s10 =	sld [smem:$0x3FB2];
	_ =	sdelay $0x3  }
0x33: {  	p0 =	seq.s32 s10, $0x1;
	s10 =	sld [smem:$0x3FB4];
	_ =	sdelay $0x3  }
0x34: {  	[smem:$0x3FB4] =	sst s10  }
0x35: {  	s10 =	sld [smem:$0x3FB3];
	_ =	sdelay $0x3  }
0x36: {  	p1 =	seq.s32 s10, $0x1;
	s10 =	sld [smem:$0x3FB4];
	_ =	sdelay $0x3  }
0x37: {  	[smem:$0x3FB4] =	sst s10  }
0x38: {  	s10 =	sld [smem:$0x3FB5]  }
0x39: {  	_ = 	snop;
	(pc) =	sbr.ind lr, $3  }
0x3a: {  	_ = 	snop  }
0x3b: {  	_ = 	snop  }
0x3c: {  	p2 =	seq.s32 s10, $0x1;
	s10 =	sld [smem:$0x3FB4]  }
0x3d: {  	_ =	shalt  }
0x3e: {  	_ =	shalt  }
0x3f: {  	_ =	shalt  }
0x40: {  	_ =	shalt  }
0x41: {  	_ =	shalt  }
0x42: {  	_ =	shalt  }
0x43: {  	_ =	shalt  }
0x44: {  	_ =	shalt  }
0x45: {  	_ =	shalt  }
0x46: {  	_ =	shalt  }
0x47: {  	_ =	shalt  }
0x48: {  	_ =	shalt  }
0x49: {  	_ =	shalt  }
0x4a: {  	_ =	shalt  }
0x4b: {  	_ =	shalt  }
0x4c: {  	_ =	shalt  }
0x4d: {  	_ =	shalt  }
0x4e: {  	_ =	shalt  }
0x4f: {  	_ =	shalt  }
0x50: {  	_ =	shalt  }
0x51: {  	_ =	shalt  }
0x52: {  	_ =	shalt  }
0x53: {  	_ =	shalt  }
0x54: {  	_ =	shalt  }
0x55: {  	_ =	shalt  }
0x56: {  	_ =	shalt  }
0x57: {  	_ =	shalt  }
0x58: {  	_ =	shalt  }
0x59: {  	_ =	shalt  }
0x5a: {  	_ =	shalt  }
0x5b: {  	_ =	shalt  }
0x5c: {  	_ =	shalt  }
0x5d: {  	_ =	shalt  }
0x5e: {  	_ =	shalt  }
0x5f: {  	_ =	shalt  }
0x60: {  	_ =	shalt  }
0x61: {  	_ =	shalt  }
0x62: {  	_ =	shalt  }
0x63: {  	_ =	shalt  }
0x64: {  	_ =	shalt  }
0x65: {  	_ =	shalt  }
0x66: {  	_ =	shalt  }
0x67: {  	_ =	shalt  }
0x68: {  	_ =	shalt  }
0x69: {  	_ =	shalt  }
0x6a: {  	_ =	shalt  }
0x6b: {  	_ =	shalt  }
0x6c: {  	_ =	shalt  }
0x6d: {  	_ =	shalt  }
0x6e: {  	_ =	shalt  }
0x6f: {  	_ =	shalt  }
0x70: {  	_ =	shalt  }
0x71: {  	_ =	shalt  }
0x72: {  	_ =	shalt  }
0x73: {  	_ =	shalt  }
0x74: {  	_ =	shalt  }
0x75: {  	_ =	shalt  }
0x76: {  	_ =	shalt  }
0x77: {  	_ =	shalt  }
0x78: {  	_ =	shalt  }
0x79: {  	_ =	shalt  }
0x7a: {  	_ =	shalt  }
0x7b: {  	_ =	shalt  }
0x7c: {  	_ =	shalt  }
0x7d: {  	_ =	shalt  }
0x7e: {  	_ =	shalt  }
0x7f: {  	_ =	shalt  }
0x80: {  	_ =	shalt  }
0x81: {  	_ =	shalt  }
0x82: {  	_ =	shalt  }
0x83: {  	_ =	shalt  }
0x84: {  	_ =	shalt  }
0x85: {  	_ =	shalt  }
0x86: {  	_ =	shalt  }
0x87: {  	_ =	shalt  }
.Lfunc_end0:
.L_simem_size_0:
called_computation.2_lowered:
.L_overlay_start_0:
0x88: {  	s2 =	sld [smem:$0x3FD9]  }
0x89: {  	s3 =	sld [smem:$0x3FFE];
	_ =	sdelay $0x1  }
0x8a: {  	s1 =	srdreg.scid  }
0x8b: {  	s0 =	sand.u32 $0x1, s1  }
0x8c: {  	s14 =	sshll.u32 s0, $0xA;
	s2 =	sadd.s32 s3, s2  }
0x8d: {  	s2 =	sadd.s32 s2, s14  }
0x8e: {  	[smem:$0x3FC0] =	sst s2  }
0x8f: {  	_ = 	snop  }
0x90: {  	s2 =	sld [smem:$0x3FD0];
	_ =	sdelay $0x2  }
0x91: {  	s15 =	simm.s32 $0xA;
	s4 =	simm.s32 $0x10  }
0x92: {  	[smem:s4], [sflag:s15] =	dma.local [hbm:s2], $0x1  }
0x93: {  	_ =	swait.eq [sflag:s15], $0x1  }
0x94: {  	[sflag:s15] =	ssyncset.done $0x0  }
0x95: {  	[sflag:s15] =	ssyncadd.s32 $0xFFFFFFFF  }
0x96: {  	s16 =	sld [smem:$0x11];
	(tm) =	ssettm $0x1  }
0x97: {  	s17 =	sld [smem:$0x3FFB];
	_ =	sdelay $0x3  }
0x98: {  	_ =	strace s17  }
0x99: {  	s3 =	sld [smem:$0x3FFC];
	_ =	sdelay $0x3  }
0x9a: {  	_ =	strace s3  }
0x9b: {  	s3 =	sld [smem:$0x3FFD];
	_ =	sdelay $0x3  }
0x9c: {  	_ =	strace s3  }
0x9d: {  	_ =	strace $0x8FFFFFFF  }
0x9e: {  	s18 =	sld [smem:$0x3FDB];
	_ =	sdelay $0x1  }
0x9f: {  	s19 =	simm.s32 $_scs_section_size  }
0xa0: {  	s5 =	simm.s32 $_size__tile_overlayer_lowered;
	s6 =	simm.s32 $_tile_overlayer_lowered  }
0xa1: {  	s22 =	simm.s32 $0x1BFF;
	s21 =	sshll.u32 s6, $0x1;
	s3 =	sadd.s32 s19, s18  }
0xa2: {  	s7 =	simm.s32 $0x0;
	s20 =	sshll.u32 s5, $0x1;
	s5 =	sadd.s32 s21, s3  }
0xa3: {  	[timem:s7], [sflag:s22] =	dma.local [hbm:s5], s20  }
0xa4: {  	_ =	swait.ge [sflag:s22], s20  }
0xa5: {  	s4 =	ssub.s32 $0x0, s20;
	[sflag:s22] =	ssyncset.done $0x0  }
0xa6: {  	[sflag:s22] =	ssyncadd.s32 s4;
	_ =	sdelay $0x1  }
0xa7: {  	s23 =	simm.s32 $0x1B8B  }
0xa8: {  	_ =	swait.ge [sflag:s23], $0x1  }
0xa9: {  	[sflag:s23] =	ssyncset.done $0x0  }
0xaa: {  	s25 =	simm.s32 $0x1B8E;
	s24 =	sld [smem:$0x3FFE];
	[sflag:s23] =	ssyncadd.s32 $0xFFFFFFFF  }
0xab: {  	s26 =	simm.s32 $execute0_lowered;
	[smem:$0x3FD2] =	sst s25  }
0xac: {  	s5 =	sshll.u32 s26, $0x1;
	_ =	strace $0x8000004C;
	[dreg:$0x1] =	wrdreg $0xFFFFFFFF  }
0xad: {  	s28 =	simm.s32 $_size_execute0_lowered;
	s3 =	sadd.s32 s3, s5;
	[dreg:$0x0] =	wrdreg $0x0  }
0xae: {  	s5 =	sshll.u32 s28, $0x1;
	[dreg:$0x2] =	wrdreg s3  }
0xaf: {  	[dreg:$0x3] =	wrdreg s5  }
0xb0: {  	[dreg:$0x4] =	wrdreg $0xC0  }
0xb1: {  	_ =	task [dreg:s7], $0x5FFFF  }
0xb2: {  	[dreg:$0x1] =	wrdreg $0xFFFFFFFF  }
0xb3: {  	[dreg:$0x0] =	wrdreg $0x60  }
0xb4: {  	[dreg:$0x2] =	wrdreg s24  }
0xb5: {  	[dreg:$0x3] =	wrdreg s16  }
0xb6: {  	[dreg:$0x4] =	wrdreg $0x9  }
0xb7: {  	_ =	task.clear_ibuf [dreg:s7], $0x5FFFF;
	_ =	strace $0x9000004C  }
0xb8: {  	s29 =	simm.s32 $0x9;
	_ =	strace $0x8000004E  }
0xb9: {  	_ =	swait.ge [sflag:s29], $0x1  }
0xba: {  	[sflag:s29] =	ssyncadd.s32 $0xFFFFFFFF  }
0xbb: {  	_ =	strace $0x9000004E  }
0xbc: {  	_ =	sfence  }
0xbd: {  	s30 =	sld [smem:$0x0];
	_ =	sdelay $0x2  }
0xbe: {  	s31 =	sshll.u32 s1, $0xD;
	s1 =	sshrl.u32 s1, $0x2  }
0xbf: {  	s3 =	sand.u32 $0x4000, s31;
	s1 =	sadd.s32 s1, s30  }
0xc0: {  	s0 =	sor.u32 s3, s0;
	s1 =	sshll.u32 s1, $0x11  }
0xc1: {  	s0 =	sor.u32 s1, s0  }
0xc2: {  	s0 =	sadd.s32 $0x8F2B, s0  }
0xc3: {  	[sflag:s0] =	ssyncadd.remote.s32 $0x1  }
0xc4: {  	_ =	sfence.sel $0xFFFF  }
0xc5: {  	[dreg:$0x0] =	wrdreg $0xFFFFFFFF;
	(pc) =	sbr.abs _section_cstart, $3  }
0xc6: {  	[dreg:$0x1] =	wrdreg $0xFFFFFFFF  }
0xc7: {  	_ =	task.clear_ibuf [dreg:s7], $0x2FFFF;
	_ =	strace $0x9FFFFFFF  }
0xc8: {  	(tm) =	ssettm $0x7FFFFFFF  }
0xc9: {  	_ =	shalt  }
tec
execute0_lowered:
.L_overlay_start_1:
0x0: {  	(tag) =	ssettag $0x1  }
0x1: {  	s1 =	srdreg.scid;
	s0 =	stileid.u32  }
0x2: {  	s2 =	rddreg [dreg:$0x0];
	s6 =	sand.u32 $0x1, s1;
	s5 =	sshll.u32 s0, $0x1  }
0x3: {  	s4 =	rddreg [dreg:$0x1];
	s3 =	simm.s32 $0x0;
	s5 =	sor.u32 s6, s5  }
0x4: {  	[smem:$0x7FF] =	sst s3;
	s7 =	smul.u32 $0x50, s5  }
0x5: {  	s1 =	rddreg [dreg:$0x2];
	_ =	strace $0x8000004D;
	s31 =	ssub.s32 $0x2, s6  }
0x6: {  	s8 =	smul.u32 $0x2800, s5;
	s5 =	simm.s32 $0x2;
	s4 =	sadd.s32 s4, s7  }
0x7: {  	[tilespmem:s3], [sflag:$0x2] =	stream.linear.gather [hbm4b:s4+s3], $0x280, $0x38;
	[tilespmem:$0x14280] =	vst v63  }
0x8: {  	s9 =	sshrl.u32 s31, $0x1;
	s30 =	sadd.s32 s8, s2;
	_ =	swait.ge [sflag:s5], $0x280  }
0x9: {  	s7 =	simm.s32 $0x280;
	s8 =	ssub.s32 s31, s9;
	[sflag:s5] =	ssyncset.done $0x0  }
0xa: {  	s6 =	sadd.s32 $0x226000, s30;
	s9 =	smax.u32 s8, $0x1;
	[sflag:s5] =	ssyncadd.s32 $0xFFFFFD80  }
0xb: {  	[tilespmem:s7], [sflag:$0x2] =	stream.linear.gather [hbm4b:s6+s3], $0x14000, $0x38;
	[tilespmem:$0x14280] =	vst v63  }
0xc: {  	p0 =	sne.s32 s9, $0x1;
	_ =	swait.ge [sflag:s5], $0x14000  }
.Ltmp0:
0xd: {  	[sflag:s5] =	ssyncset.done $0x0;
	(pc) =	sbr.rel @!p0 .LBB2_2-.Ltmp0, $4  }
0xe: {  	s8 =	simm.s32 $0x1;
	[sflag:s5] =	ssyncadd.s32 $0xFFFEC000  }
0xf: {  	[hbm4b:s2+s7] =	stream.indirect.scatter [tilespmem:s7], [sflag:$0x1], $0x80, s3, s7, $0xb8;
	[tilespmem:$0x14280] =	vst v63  }
0x10: {  	_ =	swait.ge [sflag:s8], $0x14000  }
0x11: {  	s9 =	sadd.s32 $0xFFFFFFFF, s9;
	[sflag:s8] =	ssyncset.done $0x0  }
.LBB2_1:
0x12: {  	p0 =	sne.s32 s9, $0x1;
	s9 =	sadd.s32 $0xFFFFFFFF, s9;
	[sflag:s8] =	ssyncadd.s32 $0xFFFEC000  }
0x13: {  	[tilespmem:s3], [sflag:$0x2] =	stream.linear.gather [hbm4b:s4+s3], $0x280, $0x38;
	[tilespmem:$0x14280] =	vst v63  }
0x14: {  	_ =	swait.ge [sflag:s5], $0x280  }
0x15: {  	[sflag:s5] =	ssyncset.done $0x0  }
0x16: {  	[sflag:s5] =	ssyncadd.s32 $0xFFFFFD80  }
0x17: {  	[tilespmem:s7], [sflag:$0x2] =	stream.linear.gather [hbm4b:s6+s3], $0x14000, $0x38;
	[tilespmem:$0x14280] =	vst v63  }
0x18: {  	_ =	swait.ge [sflag:s5], $0x14000  }
.Ltmp1:
0x19: {  	[sflag:s5] =	ssyncset.done $0x0;
	(pc) =	sbr.rel @p0 .LBB2_1-.Ltmp1, $4  }
0x1a: {  	[sflag:s5] =	ssyncadd.s32 $0xFFFEC000  }
0x1b: {  	[hbm4b:s2+s7] =	stream.indirect.scatter [tilespmem:s7], [sflag:$0x1], $0x80, s3, s7, $0xb8;
	[tilespmem:$0x14280] =	vst v63  }
0x1c: {  	_ =	swait.ge [sflag:s8], $0x14000  }
0x1d: {  	[sflag:s8] =	ssyncset.done $0x0  }
.LBB2_2:
0x1e: {  	[sflag:s8] =	ssyncadd.s32 $0xFFFEC000  }
0x1f: {  	_ =	sfence.sel $0x180000  }
0x20: {  	[bflag:$0x0] =	sbarrier.arrive $0xFFFF  }
0x21: {  	p0 =	sne.s32 s0, $0x0;
	_ =	strace $0x9000004D  }
0x22: {  	s0 =	sadd.s32 @!p0 $0x100000, s1;
	[bflag:$0x2] =	sbarrier.arrive $0xFFFF  }
0x23: {  	[sflag:s0] =	ssyncadd.tile.s32 @!p0 $0x1;
	_ =	shalt  }
.Lfunc_end2:
_tile_overlayer_lowered:
.L_overlay_start_2:
0x24: {  	(tag) =	ssettag $0x2  }
0x25: {  	s0 =	rddreg [dreg:$0x0];
	s2 =	stileid.u32  }
0x26: {  	s1 =	rddreg [dreg:$0x1];
	p0 =	sne.s32 s2, $0x0  }
0x27: {  	s3 =	rddreg [dreg:$0x2];
	[bflag:$0x3] =	sbarrier.arrive $0xFFFF;
	s2 =	simm.s32 @!p0 $0x1C02  }
0x28: {  	[timem:s3], [sflag:s2] =	dma.local @!p0 [hbm:s0], s1  }
0x29: {  	s0 =	simm.s32 @!p0 $0x2  }
0x2a: {  	_ =	swait.ge @!p0 [sflag:s0], s1  }
0x2b: {  	s1 =	ssub.s32 @!p0 $0x0, s1;
	[sflag:s0] =	ssyncset.done @!p0 $0x0  }
0x2c: {  	[sflag:s0] =	ssyncadd.s32 @!p0 s1  }
0x2d: {  	[bflag:$0x3] =	sbarrier.arrive $0xFFFF  }
0x2e: {  	_ =	shalt  }

// kernel: kernel.16.cloned.1.call-start
scs
__scs_entry_jumppad:
0x0: {  	(pc) =	sbr.rel $0x88, $3  }
0x1: {  	(tag) =	ssettag $0x0;
	lr =	simm.s32 $0x1  }
0x2: {  	[smem:$0x3F99] =	sst lr;
	_ =	strace $0xD0000000  }
0x3: {  	_ = 	snop  }
0x4: {  	_ = 	snop  }
0x5: {  	_ = 	snop  }
0x6: {  	_ = 	snop  }
0x7: {  	_ = 	snop  }
__scs_overlays_trampoline_lowered:
0x8: {  	[smem:$0x3FA8] =	sst s0  }
0x9: {  	[smem:$0x3FA9] =	sst s1  }
0xa: {  	[smem:$0x3FAA] =	sst s2  }
0xb: {  	[smem:$0x3FAB] =	sst s3  }
0xc: {  	[smem:$0x3FAC] =	sst s4  }
0xd: {  	[smem:$0x3FAD] =	sst s5  }
0xe: {  	[smem:$0x3FAE] =	sst s6  }
0xf: {  	[smem:$0x3FAF] =	sst s7  }
0x10: {  	[smem:$0x3FB0] =	sst s8  }
0x11: {  	[smem:$0x3FB1] =	sst s9;
	s0 =	simm.s32 @!p0 $0x0  }
0x12: {  	s1 =	sld [smem:$0x3F97];
	s0 =	simm.s32 @p0 $0x1  }
0x13: {  	[smem:$0x3FB2] =	sst s0;
	s0 =	simm.s32 @!p1 $0x0  }
0x14: {  	s2 =	sld [smem:$0x3F96];
	s0 =	simm.s32 @p1 $0x1  }
0x15: {  	[smem:$0x3FB3] =	sst s0;
	s0 =	simm.s32 @!p2 $0x0  }
0x16: {  	s3 =	sld [smem:$0x3FDB];
	s0 =	simm.s32 @p2 $0x1  }
0x17: {  	s4 =	simm.s32 $0x1BF5;
	[smem:$0x3FB5] =	sst s0  }
0x18: {  	s0 =	sld [smem:$0x3F98];
	_ =	swait.ge [sflag:s4], $0x0  }
0x19: {  	s7 =	sld [smem:$0x3F99]  }
0x1a: {  	s8 =	sadd.s32 $0xFFFFE003, lr  }
0x1b: {  	s9 =	sadd.s32 $0xFFFFFEF7, lr;
	s5 =	simm.s32 $0xFFFFFFFF;
	p2 =	slt.u32 s8, $0xFFFFF086  }
0x1c: {  	p1 =	slt.u32 s9, $0xF7A;
	s5 =	simm.s32 @!p2 $0x0  }
0x1d: {  	s5 =	simm.s32 @p1 $0x1;
	p0 =	seq.s32 s7, s2  }
0x1e: {  	s7 =	smul.u32 @!p0 $0xF7A, s2;
	p2 =	seq.s32 @!p0 s5, $0x0  }
0x1f: {  	s9 =	smul.u32 $0xF7A, s1;
	s8 =	simm.s32 @!p0 $0x1BF5;
	p2 =	por !p2, p0  }
0x20: {  	[sflag:s8] =	ssyncset.s32 @!p0 $0xFFFFF086;
	s6 =	sadd.s32 @!p0 s3, s7;
	s7 =	simm.s32 @!p0 $0x108  }
0x21: {  	s3 =	sadd.s32 s3, s9;
	s6 =	sadd.s32 @!p0 $0x88, s6;
	s7 =	simm.s32 @p2 $0x1082  }
0x22: {  	[simem:s7], [sflag:s8] =	dma.local @!p0 [hbm:s6], $0xF7A  }
0x23: {  	s9 =	sor.u32 $0xD0000000, s2;
	s6 =	simm.s32 $0x108;
	_ =	swait.ge @!p0 [sflag:s8], $0x0  }
0x24: {  	s3 =	sadd.s32 $0x88, s3;
	s6 =	simm.s32 @!p1 $0x1082;
	[sflag:s4] =	ssyncset.s32 $0xFFFFF086  }
0x25: {  	[simem:s6], [sflag:s4] =	dma.local [hbm:s3], $0xF7A  }
0x26: {  	[smem:$0x3F99] =	sst s1;
	(tag) =	ssettag s2;
	_ =	strace s9  }
0x27: {  	s1 =	sld [smem:$0x3FA9]  }
0x28: {  	s2 =	sld [smem:$0x3FAA]  }
0x29: {  	s4 =	sld [smem:$0x3FAC]  }
0x2a: {  	p0 =	seq.s32 s5, $0x0;
	s5 =	sld [smem:$0x3FAD]  }
0x2b: {  	s6 =	sld [smem:$0x3FAE]  }
0x2c: {  	s7 =	sld [smem:$0x3FAF]  }
0x2d: {  	s3 =	simm.s32 $0x108;
	s8 =	sld [smem:$0x3FB0]  }
0x2e: {  	s3 =	simm.s32 @!p0 $0x1082;
	s9 =	sld [smem:$0x3FB1]  }
0x2f: {  	lr =	sadd.s32 s0, s3;
	s0 =	sld [smem:$0x3FA8]  }
0x30: {  	s3 =	sld [smem:$0x3FAB]  }
0x31: {  	[smem:$0x3FB4] =	sst s10  }
0x32: {  	s10 =	sld [smem:$0x3FB2];
	_ =	sdelay $0x3  }
0x33: {  	p0 =	seq.s32 s10, $0x1;
	s10 =	sld [smem:$0x3FB4];
	_ =	sdelay $0x3  }
0x34: {  	[smem:$0x3FB4] =	sst s10  }
0x35: {  	s10 =	sld [smem:$0x3FB3];
	_ =	sdelay $0x3  }
0x36: {  	p1 =	seq.s32 s10, $0x1;
	s10 =	sld [smem:$0x3FB4];
	_ =	sdelay $0x3  }
0x37: {  	[smem:$0x3FB4] =	sst s10  }
0x38: {  	s10 =	sld [smem:$0x3FB5]  }
0x39: {  	_ = 	snop;
	(pc) =	sbr.ind lr, $3  }
0x3a: {  	_ = 	snop  }
0x3b: {  	_ = 	snop  }
0x3c: {  	p2 =	seq.s32 s10, $0x1;
	s10 =	sld [smem:$0x3FB4]  }
0x3d: {  	_ =	shalt  }
0x3e: {  	_ =	shalt  }
0x3f: {  	_ =	shalt  }
0x40: {  	_ =	shalt  }
0x41: {  	_ =	shalt  }
0x42: {  	_ =	shalt  }
0x43: {  	_ =	shalt  }
0x44: {  	_ =	shalt  }
0x45: {  	_ =	shalt  }
0x46: {  	_ =	shalt  }
0x47: {  	_ =	shalt  }
0x48: {  	_ =	shalt  }
0x49: {  	_ =	shalt  }
0x4a: {  	_ =	shalt  }
0x4b: {  	_ =	shalt  }
0x4c: {  	_ =	shalt  }
0x4d: {  	_ =	shalt  }
0x4e: {  	_ =	shalt  }
0x4f: {  	_ =	shalt  }
0x50: {  	_ =	shalt  }
0x51: {  	_ =	shalt  }
0x52: {  	_ =	shalt  }
0x53: {  	_ =	shalt  }
0x54: {  	_ =	shalt  }
0x55: {  	_ =	shalt  }
0x56: {  	_ =	shalt  }
0x57: {  	_ =	shalt  }
0x58: {  	_ =	shalt  }
0x59: {  	_ =	shalt  }
0x5a: {  	_ =	shalt  }
0x5b: {  	_ =	shalt  }
0x5c: {  	_ =	shalt  }
0x5d: {  	_ =	shalt  }
0x5e: {  	_ =	shalt  }
0x5f: {  	_ =	shalt  }
0x60: {  	_ =	shalt  }
0x61: {  	_ =	shalt  }
0x62: {  	_ =	shalt  }
0x63: {  	_ =	shalt  }
0x64: {  	_ =	shalt  }
0x65: {  	_ =	shalt  }
0x66: {  	_ =	shalt  }
0x67: {  	_ =	shalt  }
0x68: {  	_ =	shalt  }
0x69: {  	_ =	shalt  }
0x6a: {  	_ =	shalt  }
0x6b: {  	_ =	shalt  }
0x6c: {  	_ =	shalt  }
0x6d: {  	_ =	shalt  }
0x6e: {  	_ =	shalt  }
0x6f: {  	_ =	shalt  }
0x70: {  	_ =	shalt  }
0x71: {  	_ =	shalt  }
0x72: {  	_ =	shalt  }
0x73: {  	_ =	shalt  }
0x74: {  	_ =	shalt  }
0x75: {  	_ =	shalt  }
0x76: {  	_ =	shalt  }
0x77: {  	_ =	shalt  }
0x78: {  	_ =	shalt  }
0x79: {  	_ =	shalt  }
0x7a: {  	_ =	shalt  }
0x7b: {  	_ =	shalt  }
0x7c: {  	_ =	shalt  }
0x7d: {  	_ =	shalt  }
0x7e: {  	_ =	shalt  }
0x7f: {  	_ =	shalt  }
0x80: {  	_ =	shalt  }
0x81: {  	_ =	shalt  }
0x82: {  	_ =	shalt  }
0x83: {  	_ =	shalt  }
0x84: {  	_ =	shalt  }
0x85: {  	_ =	shalt  }
0x86: {  	_ =	shalt  }
0x87: {  	_ =	shalt  }
.Lfunc_end0:
.L_simem_size_0:
called_computation.3_lowered:
.L_overlay_start_0:
0x88: {  	s2 =	sld [smem:$0x3FD9]  }
0x89: {  	s3 =	sld [smem:$0x3FFE];
	_ =	sdelay $0x1  }
0x8a: {  	s1 =	srdreg.scid  }
0x8b: {  	s0 =	sand.u32 $0x1, s1  }
0x8c: {  	s14 =	sshll.u32 s0, $0xA;
	s2 =	sadd.s32 s3, s2  }
0x8d: {  	s2 =	sadd.s32 s2, s14  }
0x8e: {  	[smem:$0x3FC0] =	sst s2  }
0x8f: {  	_ = 	snop  }
0x90: {  	s2 =	sld [smem:$0x3FD0];
	_ =	sdelay $0x2  }
0x91: {  	s15 =	simm.s32 $0xA;
	s4 =	simm.s32 $0x10  }
0x92: {  	[smem:s4], [sflag:s15] =	dma.local [hbm:s2], $0x1  }
0x93: {  	_ =	swait.eq [sflag:s15], $0x1  }
0x94: {  	[sflag:s15] =	ssyncset.done $0x0  }
0x95: {  	[sflag:s15] =	ssyncadd.s32 $0xFFFFFFFF  }
0x96: {  	s16 =	sld [smem:$0x12];
	(tm) =	ssettm $0x1  }
0x97: {  	s17 =	sld [smem:$0x3FFB];
	_ =	sdelay $0x3  }
0x98: {  	_ =	strace s17  }
0x99: {  	s3 =	sld [smem:$0x3FFC];
	_ =	sdelay $0x3  }
0x9a: {  	_ =	strace s3  }
0x9b: {  	s3 =	sld [smem:$0x3FFD];
	_ =	sdelay $0x3  }
0x9c: {  	_ =	strace s3  }
0x9d: {  	_ =	strace $0x8FFFFFFF  }
0x9e: {  	s18 =	sld [smem:$0x3FDB];
	_ =	sdelay $0x1  }
0x9f: {  	s19 =	simm.s32 $_scs_section_size  }
0xa0: {  	s5 =	simm.s32 $_size__tile_overlayer_lowered;
	s6 =	simm.s32 $_tile_overlayer_lowered  }
0xa1: {  	s22 =	simm.s32 $0x1BFF;
	s21 =	sshll.u32 s6, $0x1;
	s3 =	sadd.s32 s19, s18  }
0xa2: {  	s7 =	simm.s32 $0x0;
	s20 =	sshll.u32 s5, $0x1;
	s5 =	sadd.s32 s21, s3  }
0xa3: {  	[timem:s7], [sflag:s22] =	dma.local [hbm:s5], s20  }
0xa4: {  	_ =	swait.ge [sflag:s22], s20  }
0xa5: {  	s4 =	ssub.s32 $0x0, s20;
	[sflag:s22] =	ssyncset.done $0x0  }
0xa6: {  	[sflag:s22] =	ssyncadd.s32 s4;
	_ =	sdelay $0x1  }
0xa7: {  	s23 =	simm.s32 $0x1B8B  }
0xa8: {  	_ =	swait.ge [sflag:s23], $0x1  }
0xa9: {  	[sflag:s23] =	ssyncset.done $0x0  }
0xaa: {  	s25 =	simm.s32 $0x1B8E;
	s24 =	sld [smem:$0x3FFE];
	[sflag:s23] =	ssyncadd.s32 $0xFFFFFFFF  }
0xab: {  	s26 =	simm.s32 $execute0_lowered;
	[smem:$0x3FD2] =	sst s25  }
0xac: {  	s5 =	sshll.u32 s26, $0x1;
	_ =	strace $0x8000004F;
	[dreg:$0x1] =	wrdreg $0xFFFFFFFF  }
0xad: {  	s28 =	simm.s32 $_size_execute0_lowered;
	s3 =	sadd.s32 s3, s5;
	[dreg:$0x0] =	wrdreg $0x0  }
0xae: {  	s5 =	sshll.u32 s28, $0x1;
	[dreg:$0x2] =	wrdreg s3  }
0xaf: {  	[dreg:$0x3] =	wrdreg s5  }
0xb0: {  	[dreg:$0x4] =	wrdreg $0xC0  }
0xb1: {  	_ =	task [dreg:s7], $0x5FFFF  }
0xb2: {  	[dreg:$0x1] =	wrdreg $0xFFFFFFFF  }
0xb3: {  	[dreg:$0x0] =	wrdreg $0x60  }
0xb4: {  	[dreg:$0x2] =	wrdreg s24  }
0xb5: {  	[dreg:$0x3] =	wrdreg s16  }
0xb6: {  	[dreg:$0x4] =	wrdreg $0x9  }
0xb7: {  	_ =	task.clear_ibuf [dreg:s7], $0x5FFFF;
	_ =	strace $0x9000004F  }
0xb8: {  	s29 =	simm.s32 $0x9;
	_ =	strace $0x80000051  }
0xb9: {  	_ =	swait.ge [sflag:s29], $0x1  }
0xba: {  	[sflag:s29] =	ssyncadd.s32 $0xFFFFFFFF  }
0xbb: {  	_ =	strace $0x90000051  }
0xbc: {  	_ =	sfence  }
0xbd: {  	s30 =	sld [smem:$0x0];
	_ =	sdelay $0x2  }
0xbe: {  	s31 =	sshll.u32 s1, $0xD;
	s1 =	sshrl.u32 s1, $0x2  }
0xbf: {  	s3 =	sand.u32 $0x4000, s31;
	s1 =	sadd.s32 s1, s30  }
0xc0: {  	s0 =	sor.u32 s3, s0;
	s1 =	sshll.u32 s1, $0x11  }
0xc1: {  	s0 =	sor.u32 s1, s0  }
0xc2: {  	s0 =	sadd.s32 $0x8F2B, s0  }
0xc3: {  	[sflag:s0] =	ssyncadd.remote.s32 $0x1  }
0xc4: {  	_ =	sfence.sel $0xFFFF  }
0xc5: {  	[dreg:$0x0] =	wrdreg $0xFFFFFFFF;
	(pc) =	sbr.abs _section_cstart, $3  }
0xc6: {  	[dreg:$0x1] =	wrdreg $0xFFFFFFFF  }
0xc7: {  	_ =	task.clear_ibuf [dreg:s7], $0x2FFFF;
	_ =	strace $0x9FFFFFFF  }
0xc8: {  	(tm) =	ssettm $0x7FFFFFFF  }
0xc9: {  	_ =	shalt  }
tec
execute0_lowered:
.L_overlay_start_1:
0x0: {  	(tag) =	ssettag $0x1  }
0x1: {  	s1 =	srdreg.scid;
	s0 =	stileid.u32  }
0x2: {  	s15 =	sand.u32 $0x1, s1;
	s28 =	sshll.u32 s0, $0x1  }
0x3: {  	s2 =	rddreg [dreg:$0x0];
	s9 =	sor.u32 s15, s28  }
0x4: {  	s14 =	rddreg [dreg:$0x1];
	s16 =	smul.u32 $0x700, s9  }
0x5: {  	s3 =	simm.s32 $0x0;
	s1 =	rddreg [dreg:$0x2]  }
0x6: {  	[smem:$0x7FF] =	sst s3;
	s4 =	sshrl.u32 s16, $0x3  }
0x7: {  	_ =	strace $0x80000050;
	s5 =	sadd.s32 s14, s4;
	s4 =	simm.s32 $0x2  }
0x8: {  	[tilespmem:s3], [sflag:$0x2] =	stream.linear.gather [hbm4b:s5+s3], $0x1C0, $0x38;
	[tilespmem:$0xE200] =	vst v63  }
0x9: {  	_ =	swait.ge [sflag:s4], $0x1C0  }
0xa: {  	s6 =	simm.s32 $0x1C0;
	[sflag:s4] =	ssyncset.done $0x0  }
0xb: {  	s7 =	simm.s32 $0x200;
	s8 =	simm.s32 $0x1;
	[sflag:s4] =	ssyncadd.s32 $0xFFFFFE40  }
0xc: {  	[tilespmem:s7], [sflag:$0x1] =	stream.indirect.gather [hbm4b:s2+s6], $0x80, s3, s6, $0xb8;
	[tilespmem:$0xE200] =	vst v63  }
0xd: {  	s9 =	smul.u32 $0x7000, s9;
	_ =	swait.ge [sflag:s8], $0xE000  }
0xe: {  	s17 =	sadd.s32 $0x50000, s2;
	[sflag:s8] =	ssyncset.done $0x0  }
0xf: {  	s9 =	sadd.s32 s17, s9;
	[sflag:s8] =	ssyncadd.s32 $0xFFFF2000  }
0x10: {  	[hbm4b:s9+s3] =	stream.linear.scatter [tilespmem:s7], [sflag:$0x2], $0xE000, $0x38;
	[tilespmem:$0xE200] =	vst v63  }
0x11: {  	s11 =	sadd.s32 $0x1C0, s16;
	_ =	swait.ge [sflag:s4], $0xE000  }
0x12: {  	s10 =	sshrl.u32 s11, $0x3;
	[sflag:s4] =	ssyncset.done $0x0  }
0x13: {  	s10 =	sadd.s32 s14, s10;
	[sflag:s4] =	ssyncadd.s32 $0xFFFF2000  }
0x14: {  	[tilespmem:s3], [sflag:$0x2] =	stream.linear.gather [hbm4b:s10+s3], $0x1C0, $0x38;
	[tilespmem:$0xE200] =	vst v63  }
0x15: {  	_ =	swait.ge [sflag:s4], $0x1C0  }
0x16: {  	[sflag:s4] =	ssyncset.done $0x0  }
0x17: {  	[sflag:s4] =	ssyncadd.s32 $0xFFFFFE40  }
0x18: {  	[tilespmem:s7], [sflag:$0x1] =	stream.indirect.gather [hbm4b:s2+s6], $0x80, s3, s6, $0xb8;
	[tilespmem:$0xE200] =	vst v63  }
0x19: {  	_ =	swait.ge [sflag:s8], $0xE000  }
0x1a: {  	s11 =	sshll.u32 s11, $0x4;
	[sflag:s8] =	ssyncset.done $0x0  }
0x1b: {  	s11 =	sadd.s32 s17, s11;
	[sflag:s8] =	ssyncadd.s32 $0xFFFF2000  }
0x1c: {  	[hbm4b:s11+s3] =	stream.linear.scatter [tilespmem:s7], [sflag:$0x2], $0xE000, $0x38;
	[tilespmem:$0xE200] =	vst v63  }
0x1d: {  	s13 =	sadd.s32 $0x380, s16;
	_ =	swait.ge [sflag:s4], $0xE000  }
0x1e: {  	s12 =	sshrl.u32 s13, $0x3;
	[sflag:s4] =	ssyncset.done $0x0  }
0x1f: {  	s12 =	sadd.s32 s14, s12;
	[sflag:s4] =	ssyncadd.s32 $0xFFFF2000  }
0x20: {  	[tilespmem:s3], [sflag:$0x2] =	stream.linear.gather [hbm4b:s12+s3], $0x1C0, $0x38;
	[tilespmem:$0xE200] =	vst v63  }
0x21: {  	_ =	swait.ge [sflag:s4], $0x1C0  }
0x22: {  	[sflag:s4] =	ssyncset.done $0x0  }
0x23: {  	[sflag:s4] =	ssyncadd.s32 $0xFFFFFE40  }
0x24: {  	[tilespmem:s7], [sflag:$0x1] =	stream.indirect.gather [hbm4b:s2+s6], $0x80, s3, s6, $0xb8;
	[tilespmem:$0xE200] =	vst v63  }
0x25: {  	_ =	swait.ge [sflag:s8], $0xE000  }
0x26: {  	s13 =	sshll.u32 s13, $0x4;
	[sflag:s8] =	ssyncset.done $0x0  }
0x27: {  	s13 =	sadd.s32 s17, s13;
	[sflag:s8] =	ssyncadd.s32 $0xFFFF2000  }
0x28: {  	[hbm4b:s13+s3] =	stream.linear.scatter [tilespmem:s7], [sflag:$0x2], $0xE000, $0x38;
	[tilespmem:$0xE200] =	vst v63  }
0x29: {  	s16 =	sadd.s32 $0x540, s16;
	_ =	swait.ge [sflag:s4], $0xE000  }
0x2a: {  	s18 =	sshrl.u32 s16, $0x3;
	[sflag:s4] =	ssyncset.done $0x0  }
0x2b: {  	s15 =	ssub.s32 $0x2, s15;
	s14 =	sadd.s32 s14, s18;
	[sflag:s4] =	ssyncadd.s32 $0xFFFF2000  }
0x2c: {  	[tilespmem:s3], [sflag:$0x2] =	stream.linear.gather [hbm4b:s14+s3], $0x1C0, $0x38;
	[tilespmem:$0xE200] =	vst v63  }
0x2d: {  	s29 =	sshrl.u32 s15, $0x1;
	_ =	swait.ge [sflag:s4], $0x1C0  }
0x2e: {  	s18 =	ssub.s32 s15, s29;
	[sflag:s4] =	ssyncset.done $0x0  }
0x2f: {  	s31 =	smax.u32 s18, $0x1;
	[sflag:s4] =	ssyncadd.s32 $0xFFFFFE40  }
0x30: {  	[tilespmem:s7], [sflag:$0x1] =	stream.indirect.gather [hbm4b:s2+s6], $0x80, s3, s6, $0xb8;
	[tilespmem:$0xE200] =	vst v63  }
0x31: {  	p0 =	sne.s32 s31, $0x1;
	_ =	swait.ge [sflag:s8], $0xE000  }
.Ltmp0:
0x32: {  	s30 =	sshll.u32 s16, $0x4;
	[sflag:s8] =	ssyncset.done $0x0;
	(pc) =	sbr.rel @!p0 .LBB2_2-.Ltmp0, $4  }
0x33: {  	s15 =	sadd.s32 s17, s30;
	[sflag:s8] =	ssyncadd.s32 $0xFFFF2000  }
0x34: {  	[hbm4b:s15+s3] =	stream.linear.scatter [tilespmem:s7], [sflag:$0x2], $0xE000, $0x38;
	[tilespmem:$0xE200] =	vst v63  }
0x35: {  	_ =	swait.ge [sflag:s4], $0xE000  }
0x36: {  	s16 =	sadd.s32 $0xFFFFFFFF, s31;
	[sflag:s4] =	ssyncset.done $0x0  }
.LBB2_1:
0x37: {  	p0 =	sne.s32 s16, $0x1;
	s16 =	sadd.s32 $0xFFFFFFFF, s16;
	[sflag:s4] =	ssyncadd.s32 $0xFFFF2000  }
0x38: {  	[tilespmem:s3], [sflag:$0x2] =	stream.linear.gather [hbm4b:s5+s3], $0x1C0, $0x38;
	[tilespmem:$0xE200] =	vst v63  }
0x39: {  	_ =	swait.ge [sflag:s4], $0x1C0  }
0x3a: {  	[sflag:s4] =	ssyncset.done $0x0  }
0x3b: {  	[sflag:s4] =	ssyncadd.s32 $0xFFFFFE40  }
0x3c: {  	[tilespmem:s7], [sflag:$0x1] =	stream.indirect.gather [hbm4b:s2+s6], $0x80, s3, s6, $0xb8;
	[tilespmem:$0xE200] =	vst v63  }
0x3d: {  	_ =	swait.ge [sflag:s8], $0xE000  }
0x3e: {  	[sflag:s8] =	ssyncset.done $0x0  }
0x3f: {  	[sflag:s8] =	ssyncadd.s32 $0xFFFF2000  }
0x40: {  	[hbm4b:s9+s3] =	stream.linear.scatter [tilespmem:s7], [sflag:$0x2], $0xE000, $0x38;
	[tilespmem:$0xE200] =	vst v63  }
0x41: {  	_ =	swait.ge [sflag:s4], $0xE000  }
0x42: {  	[sflag:s4] =	ssyncset.done $0x0  }
0x43: {  	[sflag:s4] =	ssyncadd.s32 $0xFFFF2000  }
0x44: {  	[tilespmem:s3], [sflag:$0x2] =	stream.linear.gather [hbm4b:s10+s3], $0x1C0, $0x38;
	[tilespmem:$0xE200] =	vst v63  }
0x45: {  	_ =	swait.ge [sflag:s4], $0x1C0  }
0x46: {  	[sflag:s4] =	ssyncset.done $0x0  }
0x47: {  	[sflag:s4] =	ssyncadd.s32 $0xFFFFFE40  }
0x48: {  	[tilespmem:s7], [sflag:$0x1] =	stream.indirect.gather [hbm4b:s2+s6], $0x80, s3, s6, $0xb8;
	[tilespmem:$0xE200] =	vst v63  }
0x49: {  	_ =	swait.ge [sflag:s8], $0xE000  }
0x4a: {  	[sflag:s8] =	ssyncset.done $0x0  }
0x4b: {  	[sflag:s8] =	ssyncadd.s32 $0xFFFF2000  }
0x4c: {  	[hbm4b:s11+s3] =	stream.linear.scatter [tilespmem:s7], [sflag:$0x2], $0xE000, $0x38;
	[tilespmem:$0xE200] =	vst v63  }
0x4d: {  	_ =	swait.ge [sflag:s4], $0xE000  }
0x4e: {  	[sflag:s4] =	ssyncset.done $0x0  }
0x4f: {  	[sflag:s4] =	ssyncadd.s32 $0xFFFF2000  }
0x50: {  	[tilespmem:s3], [sflag:$0x2] =	stream.linear.gather [hbm4b:s12+s3], $0x1C0, $0x38;
	[tilespmem:$0xE200] =	vst v63  }
0x51: {  	_ =	swait.ge [sflag:s4], $0x1C0  }
0x52: {  	[sflag:s4] =	ssyncset.done $0x0  }
0x53: {  	[sflag:s4] =	ssyncadd.s32 $0xFFFFFE40  }
0x54: {  	[tilespmem:s7], [sflag:$0x1] =	stream.indirect.gather [hbm4b:s2+s6], $0x80, s3, s6, $0xb8;
	[tilespmem:$0xE200] =	vst v63  }
0x55: {  	_ =	swait.ge [sflag:s8], $0xE000  }
0x56: {  	[sflag:s8] =	ssyncset.done $0x0  }
0x57: {  	[sflag:s8] =	ssyncadd.s32 $0xFFFF2000  }
0x58: {  	[hbm4b:s13+s3] =	stream.linear.scatter [tilespmem:s7], [sflag:$0x2], $0xE000, $0x38;
	[tilespmem:$0xE200] =	vst v63  }
0x59: {  	_ =	swait.ge [sflag:s4], $0xE000  }
0x5a: {  	[sflag:s4] =	ssyncset.done $0x0  }
0x5b: {  	[sflag:s4] =	ssyncadd.s32 $0xFFFF2000  }
0x5c: {  	[tilespmem:s3], [sflag:$0x2] =	stream.linear.gather [hbm4b:s14+s3], $0x1C0, $0x38;
	[tilespmem:$0xE200] =	vst v63  }
0x5d: {  	_ =	swait.ge [sflag:s4], $0x1C0  }
0x5e: {  	[sflag:s4] =	ssyncset.done $0x0  }
0x5f: {  	[sflag:s4] =	ssyncadd.s32 $0xFFFFFE40  }
0x60: {  	[tilespmem:s7], [sflag:$0x1] =	stream.indirect.gather [hbm4b:s2+s6], $0x80, s3, s6, $0xb8;
	[tilespmem:$0xE200] =	vst v63  }
0x61: {  	_ =	swait.ge [sflag:s8], $0xE000  }
.Ltmp1:
0x62: {  	[sflag:s8] =	ssyncset.done $0x0;
	(pc) =	sbr.rel @p0 .LBB2_1-.Ltmp1, $4  }
0x63: {  	[sflag:s8] =	ssyncadd.s32 $0xFFFF2000  }
0x64: {  	[hbm4b:s15+s3] =	stream.linear.scatter [tilespmem:s7], [sflag:$0x2], $0xE000, $0x38;
	[tilespmem:$0xE200] =	vst v63  }
0x65: {  	_ =	swait.ge [sflag:s4], $0xE000  }
0x66: {  	[sflag:s4] =	ssyncset.done $0x0  }
.LBB2_2:
0x67: {  	[sflag:s4] =	ssyncadd.s32 $0xFFFF2000  }
0x68: {  	_ =	sfence.sel $0x180000  }
0x69: {  	[bflag:$0x0] =	sbarrier.arrive $0xFFFF  }
0x6a: {  	p0 =	sne.s32 s0, $0x0;
	_ =	strace $0x90000050  }
0x6b: {  	s0 =	sadd.s32 @!p0 $0x100000, s1;
	[bflag:$0x2] =	sbarrier.arrive $0xFFFF  }
0x6c: {  	[sflag:s0] =	ssyncadd.tile.s32 @!p0 $0x1;
	_ =	shalt  }
.Lfunc_end2:
_tile_overlayer_lowered:
.L_overlay_start_2:
0x6d: {  	(tag) =	ssettag $0x2  }
0x6e: {  	s0 =	rddreg [dreg:$0x0];
	s2 =	stileid.u32  }
0x6f: {  	s1 =	rddreg [dreg:$0x1];
	p0 =	sne.s32 s2, $0x0  }
0x70: {  	s3 =	rddreg [dreg:$0x2];
	[bflag:$0x3] =	sbarrier.arrive $0xFFFF;
	s2 =	simm.s32 @!p0 $0x1C02  }
0x71: {  	[timem:s3], [sflag:s2] =	dma.local @!p0 [hbm:s0], s1  }
0x72: {  	s0 =	simm.s32 @!p0 $0x2  }
0x73: {  	_ =	swait.ge @!p0 [sflag:s0], s1  }
0x74: {  	s1 =	ssub.s32 @!p0 $0x0, s1;
	[sflag:s0] =	ssyncset.done @!p0 $0x0  }
0x75: {  	[sflag:s0] =	ssyncadd.s32 @!p0 s1  }
0x76: {  	[bflag:$0x3] =	sbarrier.arrive $0xFFFF  }
0x77: {  	_ =	shalt  }

// kernel: sparse-core-data-format-call.cloned.1.call-start
scs
called_computation_lowered:
.L_overlay_start_0:
0x0: {  	s1 =	sld [smem:$0x3FD9]  }
0x1: {  	s2 =	sld [smem:$0x3FFE];
	_ =	sdelay $0x1  }
0x2: {  	s3 =	srdreg.scid  }
0x3: {  	s0 =	sand.u32 $0x1, s3  }
0x4: {  	s17 =	sshll.u32 s0, $0xA;
	s1 =	sadd.s32 s2, s1  }
0x5: {  	s1 =	sadd.s32 s1, s17  }
0x6: {  	[smem:$0x3FC0] =	sst s1  }
0x7: {  	_ = 	snop  }
0x8: {  	(tm) =	ssettm $0x1  }
0x9: {  	s18 =	sld [smem:$0x3FFB];
	_ =	sdelay $0x3  }
0xa: {  	_ =	strace s18  }
0xb: {  	s1 =	sld [smem:$0x3FFC];
	_ =	sdelay $0x3  }
0xc: {  	_ =	strace s1  }
0xd: {  	s1 =	sld [smem:$0x3FFD];
	_ =	sdelay $0x3  }
0xe: {  	_ =	strace s1  }
0xf: {  	_ =	strace $0x8FFFFFFF  }
0x10: {  	s19 =	sld [smem:$0x3FDB];
	_ =	sdelay $0x1  }
0x11: {  	s20 =	simm.s32 $_scs_section_size  }
0x12: {  	s4 =	simm.s32 $_size__tile_overlayer_lowered;
	s5 =	simm.s32 $_tile_overlayer_lowered  }
0x13: {  	s23 =	simm.s32 $0x1BFF;
	s22 =	sshll.u32 s5, $0x1;
	s1 =	sadd.s32 s20, s19  }
0x14: {  	s6 =	simm.s32 $0x0;
	s21 =	sshll.u32 s4, $0x1;
	s4 =	sadd.s32 s22, s1  }
0x15: {  	[timem:s6], [sflag:s23] =	dma.local [hbm:s4], s21  }
0x16: {  	_ =	swait.ge [sflag:s23], s21  }
0x17: {  	s2 =	ssub.s32 $0x0, s21;
	[sflag:s23] =	ssyncset.done $0x0  }
0x18: {  	[sflag:s23] =	ssyncadd.s32 s2;
	_ =	sdelay $0x1  }
0x19: {  	s24 =	simm.s32 $0x1B8B  }
0x1a: {  	_ =	swait.ge [sflag:s24], $0x1  }
0x1b: {  	[sflag:s24] =	ssyncset.done $0x0  }
0x1c: {  	s26 =	simm.s32 $0x1B8E;
	s25 =	sld [smem:$0x3FFE];
	[sflag:s24] =	ssyncadd.s32 $0xFFFFFFFF  }
0x1d: {  	s27 =	simm.s32 $execute0_lowered;
	[smem:$0x3FD2] =	sst s26  }
0x1e: {  	s4 =	sshll.u32 s27, $0x1;
	_ =	strace $0x80000049;
	[dreg:$0x1] =	wrdreg $0xFFFFFFFF  }
0x1f: {  	s28 =	simm.s32 $_size_execute0_lowered;
	s1 =	sadd.s32 s1, s4;
	[dreg:$0x0] =	wrdreg $0x0  }
0x20: {  	s4 =	sshll.u32 s28, $0x1;
	[dreg:$0x2] =	wrdreg s1  }
0x21: {  	[dreg:$0x3] =	wrdreg s4  }
0x22: {  	[dreg:$0x4] =	wrdreg $0xC0  }
0x23: {  	_ =	task [dreg:s6], $0x5FFFF  }
0x24: {  	[dreg:$0x1] =	wrdreg $0xFFFFFFFF  }
0x25: {  	[dreg:$0x0] =	wrdreg $0x60  }
0x26: {  	[dreg:$0x2] =	wrdreg s25  }
0x27: {  	[dreg:$0x3] =	wrdreg $0x9  }
0x28: {  	_ =	task.clear_ibuf [dreg:s6], $0x4FFFF;
	_ =	strace $0x90000049  }
0x29: {  	s29 =	simm.s32 $0x9;
	_ =	strace $0x8000004B  }
0x2a: {  	_ =	swait.ge [sflag:s29], $0x1  }
0x2b: {  	[sflag:s29] =	ssyncadd.s32 $0xFFFFFFFF  }
0x2c: {  	_ =	strace $0x9000004B  }
0x2d: {  	_ =	sfence  }
0x2e: {  	s30 =	sld [smem:$0x0];
	_ =	sdelay $0x2  }
0x2f: {  	s31 =	sshll.u32 s3, $0xD;
	s3 =	sshrl.u32 s3, $0x2  }
0x30: {  	s2 =	sand.u32 $0x4000, s31;
	s1 =	sadd.s32 s3, s30  }
0x31: {  	s0 =	sor.u32 s2, s0;
	s1 =	sshll.u32 s1, $0x11  }
0x32: {  	s0 =	sor.u32 s1, s0  }
0x33: {  	s0 =	sadd.s32 $0x8F2B, s0  }
0x34: {  	[sflag:s0] =	ssyncadd.remote.s32 $0x1  }
0x35: {  	_ =	sfence.sel $0xFFFF  }
0x36: {  	[dreg:$0x0] =	wrdreg $0xFFFFFFFF;
	(pc) =	sbr.abs _section_cstart, $3  }
0x37: {  	[dreg:$0x1] =	wrdreg $0xFFFFFFFF  }
0x38: {  	_ =	task.clear_ibuf [dreg:s6], $0x2FFFF;
	_ =	strace $0x9FFFFFFF  }
0x39: {  	(tm) =	ssettm $0x7FFFFFFF  }
tec
execute0_lowered:
.L_overlay_start_1:
0x0: {  	(tag) =	ssettag $0x1  }
0x1: {  	s0 =	srdreg.scid  }
0x2: {  	s2 =	rddreg [dreg:$0x0];
	s1 =	stileid.u32  }
0x3: {  	s30 =	simm.s32 $0x2;
	s18 =	simm.s32 $0x0;
	s12 =	simm.s32 $0x13C00  }
0x4: {  	s17 =	simm.s32 $0x0;
	s16 =	simm.s32 $0x0;
	s15 =	simm.s32 $0x0  }
0x5: {  	s3 =	sshll.u32 s0, $0x4;
	s0 =	rddreg [dreg:$0x1];
	s4 =	sshll.u32 s1, $0x6  }
0x6: {  	_ =	strace $0x8000004A;
	s3 =	sand.u32 $0x10, s3;
	s4 =	sand.u32 $0x80, s4  }
0x7: {  	s9 =	sor.u32 s1, s3;
	s3 =	sand.u32 $0x1, s1;
	s7 =	ssub.s32 $0x2700, s4  }
0x8: {  	s13 =	smov.u32 s4;
	s5 =	sshll.u32 s9, $0x5;
	s6 =	ssub.s32 $0x2, s3  }
0x9: {  	s7 =	sshrl.u32 s7, $0x8;
	s9 =	sshll.u32 s9, $0x9;
	s14 =	smov.u32 s3  }
0xa: {  	s5 =	sand.u32 $0x380, s5;
	s8 =	sshrl.u32 s6, $0x1;
	s10 =	sand.u32 $0x1, s6  }
.Ltmp0:
0xb: {  	s7 =	sadd.s32 $0x1, s7;
	s8 =	sadd.s32 s10, s8;
	(pc) =	sbr.rel .LBB1_1-.Ltmp0, $4  }
0xc: {  	s6 =	simm.s32 $0x1;
	s9 =	sand.u32 $0x3800, s9;
	s7 =	smul.u32 s8, s7  }
0xd: {  	[sflag:s6] =	ssyncpa.u1 $0x0;
	p0 =	seq.s32 s5, $0x380;
	s31 =	smax.u32 s5, $0x300  }
0xe: {  	s8 =	sadd.s32 $0x111800, s2;
	[sflag:s30] =	ssyncpa.u1 $0x0;
	s7 =	simm.s32 @p0 $0x0  }
0xf: {  	s10 =	sxor.u32 $0x380, s31;
	p0 =	por $0x0, $0x0;
	s11 =	sadd.s32 $0x1, s7  }
.LBB1_4:
0x10: {  	s18 =	sshrl.u32 s18, $0x4  }
0x11: {  	s21 =	sshll.u32 s17, $0x4;
	s18 =	smul.u32 $0x27800, s18  }
0x12: {  	s26 =	sshll.u32 s17, $0x1;
	s21 =	sand.u32 $0xFFFFF800, s21  }
0x13: {  	s17 =	sand.u32 $0xFE, s26;
	s18 =	sadd.s32 s21, s18  }
0x14: {  	v4 =	vperm.xlane.i2c.b16 v4;
	v12 =	vcombine.low v10, v9;
	s17 =	sor.u32 s17, s18  }
0x15: {  	[tilespmem:s20+$0x1021 ss:$0x81] =	vst.msk $0xffff, v8;
	v5 =	vperm.xlane.i2c.b16 v5;
	v0 =	vcombine.high v1, v0;
	s18 =	smulhi.u32 $0xCF6474A9, s17  }
0x16: {  	s27 =	sadd.s32 s25, s19;
	s22 =	sshrl.u32 s24, $0x1;
	[tilespmem:s20+$0x0 ss:$0x81] =	vst.msk $0xffff, v11;
	v3 =	vperm.xlane.i2c.b16 v3;
	v6 =	vperm.xlane.i2c.b16 v6  }
0x17: {  	v61 =	vperm.xlane.i2c.b16 v7;
	s16 =	smul.u32 $0x8A400, s16;
	v60 =	vcombine.low v4, v5;
	[tilespmem:s20+$0x1 ss:$0x81] =	vst.msk $0xffff, v0;
	s21 =	sadd.s32 s22, s27;
	s18 =	sshrl.u32 s18, $0xD  }
0x18: {  	v62 =	vcombine.low v3, v6;
	[tilespmem:s21+$0x1830 ss:$0x81] =	vst.msk $0xffff, v12;
	s28 =	smulhi.u32 $0x492493, s18  }
0x19: {  	v63 =	vcombine.low v61, v2;
	[tilespmem:s21+$0x810 ss:$0x81] =	vst.msk $0xffff, v60;
	s30 =	smul.u32 $0x2780, s18  }
0x1a: {  	v59 =	vcombine.high v10, v9;
	[tilespmem:s21+$0x1020 ss:$0x81] =	vst.msk $0xffff, v62;
	s29 =	smul.u32 $0x380, s28  }
0x1b: {  	v4 =	vcombine.high v4, v5;
	[tilespmem:s21+$0x0 ss:$0x81] =	vst.msk $0xffff, v63  }
0x1c: {  	v3 =	vcombine.high v3, v6;
	s16 =	sadd.s32 s8, s16;
	[tilespmem:s21+$0x1831 ss:$0x81] =	vst.msk $0xffff, v59;
	s17 =	ssub.s32 s17, s30;
	s18 =	ssub.s32 s18, s29  }
0x1d: {  	v0 =	vcombine.high v61, v2;
	[tilespmem:s21+$0x811 ss:$0x81] =	vst.msk $0xffff, v4;
	s31 =	sshrl.u32 s17, $0x4;
	s17 =	sshll.u32 s17, $0x11;
	s18 =	smul.u32 $0x278, s18  }
0x1e: {  	[tilespmem:s21+$0x1021 ss:$0x81] =	vst.msk $0xffff, v3;
	s16 =	sadd.s32 s31, s16;
	s17 =	sand.u32 $0x1C0000, s17  }
0x1f: {  	[tilespmem:s21+$0x1 ss:$0x81] =	vst.msk $0xffff, v0;
	s17 =	sor.u32 $0x400, s17;
	s16 =	sadd.s32 s18, s16  }
0x20: {  	[hbm4b:s16+s17] =	stream.strided.scatter [tilespmem:s19], [sflag:$0x2], $0x2000, s12, s17, $0x20;
	[tilespmem:$0x8080] =	vst v63  }
.LBB1_5:
0x21: {  	s19 =	sadd.s32 $0x100, s13  }
0x22: {  	s16 =	sadd.s32 $0x2, s14;
	s20 =	smov.u32 s14;
	p2 =	sgt.s32 s19, $0x270F  }
0x23: {  	s20 =	smov.u32 @p2 s16  }
0x24: {  	s19 =	smov.u32 @p2 s4;
	p2 =	sgt.s32 s20, $0x1  }
0x25: {  	s20 =	smov.u32 @p2 s3;
	p2 =	sne.s32 s15, s11  }
.Ltmp1:
0x26: {  	p1 =	slt.u32 s15, $0x2;
	(pc) =	sbr.rel @!p2 .LBB1_6-.Ltmp1, $4  }
0x27: {  	s17 =	smov.u32 s13;
	s18 =	simm.s32 @!p1 $0x2  }
0x28: {  	p0 =	por !p0, !p0;
	_ =	swait.ge @!p1 [sflag:s18], $0x2000;
	s16 =	smov.u32 s14  }
0x29: {  	[sflag:s18] =	ssyncset.done @!p1 $0x0;
	s13 =	smov.u32 s19;
	s15 =	sadd.s32 $0x1, s15  }
0x2a: {  	[sflag:s18] =	ssyncadd.s32 @!p1 $0xFFFFE000;
	s18 =	smov.u32 s5;
	s14 =	smov.u32 s20  }
.LBB1_1:
0x2b: {  	p1 =	sge.u32 s15, s7;
	s21 =	smov.u32 s14  }
0x2c: {  	s23 =	smov.u32 s13;
	s19 =	sshrl.u32 @!p1 s13, $0x4;
	s20 =	sshll.u32 @!p1 s13, $0x7  }
0x2d: {  	p2 =	sgt.s32 @!p1 s14, $0x1;
	s22 =	sshra.s32 @!p1 s14, $0x1F;
	s24 =	sshra.s32 @!p1 s13, $0x1F  }
0x2e: {  	s19 =	smul.u32 @!p1 $0x3800, s19;
	s20 =	sand.u32 @!p1 $0x700, s20;
	p2 =	por !p2, p1  }
0x2f: {  	s22 =	sand.u32 @!p1 s22, s14;
	s21 =	simm.s32 @p2 $0x1;
	p2 =	sgt.s32 @!p1 s13, $0x2690  }
0x30: {  	s22 =	sxor.u32 @!p1 $0xFFFFFFFF, s22;
	s19 =	sadd.s32 @!p1 s9, s19;
	p2 =	por !p2, p1  }
0x31: {  	s21 =	sadd.s32 @!p1 s22, s21;
	s22 =	sand.u32 @!p1 s24, s13;
	s19 =	sor.u32 @!p1 s20, s19  }
0x32: {  	s23 =	simm.s32 @p2 $0x2690;
	p2 =	sgt.s32 @!p1 s21, $0x0;
	s21 =	ssub.s32 @!p1 $0x1, s21  }
0x33: {  	s20 =	sshrl.u32 @!p1 s19, $0x7;
	s22 =	ssub.s32 @!p1 s23, s22;
	p2 =	por !p2, p1  }
0x34: {  	s20 =	smulhi.u32 @!p1 $0x24924925, s20;
	s23 =	sadd.s32 @!p1 $0xFFFFD970, s22;
	s21 =	simm.s32 @!p2 $0x0  }
0x35: {  	p2 =	sgt.s32 @!p1 s23, $0x7F;
	s21 =	smul.u32 @!p1 s10, s21  }
0x36: {  	s22 =	ssub.s32 @!p1 $0x2710, s22;
	s24 =	smulhi.u32 @!p1 $0x1A36E3, s20;
	p2 =	por !p2, p1  }
0x37: {  	s22 =	simm.s32 @!p2 $0x0  }
0x38: {  	s24 =	sshrl.u32 @!p1 s24, $0x2;
	s21 =	smul.u32 @!p1 s22, s21  }
0x39: {  	s23 =	smul.u32 @!p1 $0x2710, s24  }
0x3a: {  	s31 =	sadd.s32 $0xFFFFFFFF, s15;
	s22 =	sand.u32 @!p1 $0x1, s13;
	s24 =	smul.u32 @!p1 $0x380, s20  }
0x3b: {  	s19 =	sor.u32 @!p1 s22, s19;
	s22 =	smul.u32 @!p1 $0x88B80, s14;
	s21 =	sshrl.u32 @!p1 s21, $0x1  }
0x3c: {  	s20 =	ssub.s32 @!p1 s20, s23;
	s23 =	sxor.u32 @!p1 $0xFFFFFFFF, s15;
	s19 =	ssub.s32 @!p1 s19, s24  }
0x3d: {  	s20 =	smul.u32 @!p1 $0x38, s20;
	s24 =	sshrl.u32 @!p1 s19, $0x4;
	s19 =	sshll.u32 @!p1 s19, $0x11  }
0x3e: {  	s21 =	sand.u32 @!p1 $0x3FFFFFC0, s21;
	s22 =	sadd.s32 @!p1 s2, s22;
	s19 =	sand.u32 @!p1 $0x1C0000, s19  }
0x3f: {  	s20 =	sadd.s32 @!p1 s20, s22;
	s22 =	sshll.u32 @!p1 s23, $0xD;
	s19 =	sor.u32 @!p1 $0x400, s19  }
0x40: {  	s23 =	simm.s32 @!p1 $0x1C00;
	s20 =	sadd.s32 @!p1 s24, s20;
	s22 =	sand.u32 @!p1 $0x2000, s22  }
0x41: {  	[tilespmem:s22], [sflag:$0x1] =	stream.strided.gather @!p1 [hbm4b:s20+s19], s21, s23, s19, $0x38;
	[tilespmem:$0x8080] =	vst v63  }
0x42: {  	p1 =	sge.u32 s31, s7  }
.Ltmp2:
0x43: {  	_ = 	snop;
	(pc) =	sbr.rel @p1 .LBB1_5-.Ltmp2, $1  }
0x44: {  	_ =	sdelay $0x3  }
0x45: {  	s19 =	sshra.s32 s16, $0x1F;
	p1 =	sgt.s32 s16, $0x1;
	s20 =	smov.u32 s16  }
0x46: {  	s21 =	smov.u32 s17;
	s22 =	sshra.s32 s17, $0x1F;
	s23 =	smov.u32 s18  }
0x47: {  	s19 =	sand.u32 s19, s16;
	s20 =	simm.s32 @!p1 $0x1;
	p1 =	sgt.s32 s17, $0x2690  }
0x48: {  	s19 =	sxor.u32 $0xFFFFFFFF, s19;
	s21 =	simm.s32 @!p1 $0x2690;
	p1 =	sgt.s32 s18, $0x300  }
0x49: {  	s24 =	sand.u32 s22, s17;
	s19 =	sadd.s32 s19, s20;
	s23 =	simm.s32 @!p1 $0x300  }
0x4a: {  	s20 =	ssub.s32 s21, s24;
	p1 =	sgt.s32 s19, $0x0;
	s19 =	ssub.s32 $0x1, s19  }
0x4b: {  	s21 =	sadd.s32 $0xFFFFD970, s20;
	s25 =	ssub.s32 $0x380, s23;
	s19 =	simm.s32 @p1 $0x0  }
0x4c: {  	s20 =	ssub.s32 $0x2710, s20;
	p1 =	sgt.s32 s21, $0x7F;
	s19 =	smul.u32 s19, s25  }
0x4d: {  	s20 =	simm.s32 @p1 $0x0  }
0x4e: {  	s19 =	smul.u32 s20, s19;
	_ =	sdelay $0x1  }
0x4f: {  	s19 =	sshrl.u32 s19, $0x1  }
0x50: {  	s20 =	simm.s32 $0x1;
	s19 =	sand.u32 $0x3FFFFFFF, s19  }
0x51: {  	s20 =	simm.s32 @!p0 $0x0;
	_ =	swait.ge [sflag:s6], s19  }
0x52: {  	s20 =	sshll.u32 s20, $0xD;
	s19 =	ssub.s32 $0x0, s19;
	[sflag:s6] =	ssyncset.done $0x0  }
0x53: {  	s20 =	sor.u32 $0x40, s20;
	[sflag:s6] =	ssyncadd.s32 s19  }
0x54: {  	v0 =	vld [tilespmem:s20+$0x20]  }
0x55: {  	v1 =	vld [tilespmem:s20+$0x30]  }
0x56: {  	v2 =	vld [tilespmem:s20+$0xFFFFFFD0]  }
0x57: {  	v3 =	vld [tilespmem:s20+$0xFFFFFFE0]  }
0x58: {  	v4 =	vld [tilespmem:s20+$0xFFFFFFF0]  }
0x59: {  	s26 =	sand.u32 $0x1, s15;
	v6 =	vld [tilespmem:s20+$0x10]  }
0x5a: {  	s19 =	smul.u32 $0x8100, s26;
	v5 =	vld [tilespmem:s20+$0x0]  }
0x5b: {  	s27 =	simm.s32 $0x0;
	v1 =	vperm.xlane.i2c.b16 v1  }
0x5c: {  	s28 =	sand.u32 $0x7C, s27;
	s29 =	sadd.s32 $0x80, s20;
	v8 =	vld [tilespmem:s20+$0xFFFFFFC0];
	s19 =	sshrl.u32 s19, $0x2;
	v7 =	vperm.xlane.i2c.b16 v0;
	v0 =	vperm.xlane.i2c.b16 v2  }
0x5d: {  	s30 =	sand.u32 $0x80, s27;
	s31 =	sshrl.u32 s28, $0x1;
	v10 =	vld [tilespmem:s29+$0x30];
	s19 =	sor.u32 $0x4000, s19;
	v3 =	vperm.xlane.i2c.b16 v3;
	v11 =	vperm.xlane.i2c.b16 v4  }
0x5e: {  	s20 =	sshrl.u32 s30, $0x1;
	s21 =	sadd.s32 s31, s19;
	v2 =	vld [tilespmem:s29+$0x20];
	v6 =	vperm.xlane.i2c.b16 v6;
	v9 =	vcombine.low v7, v1  }
0x5f: {  	v12 =	vld [tilespmem:s29+$0xFFFFFFD0];
	s20 =	sadd.s32 s20, s21;
	v1 =	vcombine.high v7, v1;
	v7 =	vperm.xlane.i2c.b16 v5  }
0x60: {  	v4 =	vld [tilespmem:s29+$0xFFFFFFE0];
	[tilespmem:s20+$0x1830 ss:$0x81] =	vst.msk $0xffff, v9;
	v9 =	vcombine.low v3, v11  }
0x61: {  	v5 =	vld [tilespmem:s29+$0xFFFFFFF0];
	v11 =	vcombine.high v3, v11;
	v13 =	vcombine.low v7, v6;
	[tilespmem:s20+$0x1831 ss:$0x81] =	vst.msk $0xffff, v1  }
0x62: {  	s21 =	simm.s32 $0x4;
	v3 =	vld [tilespmem:s29+$0x0];
	v1 =	vperm.xlane.i2c.b16 v8;
	v8 =	vcombine.high v7, v6;
	[tilespmem:s20+$0x810 ss:$0x81] =	vst.msk $0xffff, v9  }
0x63: {  	s22 =	simm.s32 $0x2;
	s25 =	sand.u32 $0x7C, s21;
	v6 =	vld [tilespmem:s29+$0x10];
	v9 =	vperm.xlane.i2c.b16 v10;
	v10 =	vperm.xlane.i2c.b16 v2;
	[tilespmem:s20+$0x1020 ss:$0x81] =	vst.msk $0xffff, v13  }
0x64: {  	s23 =	sadd.s32 $0x80, s29;
	s24 =	sand.u32 $0x80, s21;
	s25 =	sshrl.u32 s25, $0x1;
	v7 =	vld [tilespmem:s29+$0xFFFFFFC0];
	v2 =	vperm.xlane.i2c.b16 v12;
	[tilespmem:s20+$0x811 ss:$0x81] =	vst.msk $0xffff, v11;
	v11 =	vcombine.low v1, v0  }
.LBB1_3:
0x65: {  	v12 =	vld [tilespmem:s23+$0x20];
	s25 =	sadd.s32 s25, s19;
	s24 =	sshrl.u32 s24, $0x1;
	v13 =	vperm.xlane.i2c.b16 v4;
	v4 =	vcombine.low v10, v9;
	[tilespmem:s20+$0x1021 ss:$0x81] =	vst.msk $0xffff, v8  }
0x66: {  	v8 =	vperm.xlane.i2c.b16 v5;
	v5 =	vcombine.high v10, v9;
	s22 =	sadd.s32 $0x2, s22;
	v14 =	vld [tilespmem:s23+$0x30];
	s24 =	sadd.s32 s24, s25;
	[tilespmem:s20+$0x0 ss:$0x81] =	vst.msk $0xffff, v11  }
0x67: {  	v9 =	vperm.xlane.i2c.b16 v3;
	v3 =	vcombine.high v1, v0;
	v0 =	vmov v2;
	p1 =	slt.u32 s22, $0x7E;
	v11 =	vld [tilespmem:s23+$0xFFFFFFD0];
	[tilespmem:s24+$0x1830 ss:$0x81] =	vst.msk $0xffff, v4  }
.Ltmp3:
0x68: {  	v6 =	vperm.xlane.i2c.b16 v6;
	v2 =	vcombine.low v13, v8;
	v4 =	vld [tilespmem:s23+$0xFFFFFFE0];
	[tilespmem:s24+$0x1831 ss:$0x81] =	vst.msk $0xffff, v5;
	(pc) =	sbr.rel @p1 .LBB1_3-.Ltmp3, $4  }
0x69: {  	v1 =	vperm.xlane.i2c.b16 v7;
	v7 =	vcombine.high v13, v8;
	v5 =	vld [tilespmem:s23+$0xFFFFFFF0];
	[tilespmem:s20+$0x1 ss:$0x81] =	vst.msk $0xffff, v3;
	s20 =	smov.u32 s24  }
0x6a: {  	s21 =	sadd.s32 $0x4, s21;
	v13 =	vcombine.low v9, v6;
	v8 =	vcombine.high v9, v6;
	v3 =	vld [tilespmem:s23+$0x0];
	[tilespmem:s20+$0x810 ss:$0x81] =	vst.msk $0xffff, v2  }
0x6b: {  	s25 =	sand.u32 $0x7C, s21;
	v10 =	vperm.xlane.i2c.b16 v12;
	v6 =	vld [tilespmem:s23+$0x10];
	v9 =	vperm.xlane.i2c.b16 v14;
	[tilespmem:s20+$0x811 ss:$0x81] =	vst.msk $0xffff, v7  }
0x6c: {  	s25 =	sshrl.u32 s25, $0x1;
	s24 =	sand.u32 $0x80, s21;
	v7 =	vld [tilespmem:s23+$0xFFFFFFC0];
	v2 =	vperm.xlane.i2c.b16 v11;
	s23 =	sadd.s32 $0x80, s23;
	v11 =	vcombine.low v1, v0;
	[tilespmem:s20+$0x1020 ss:$0x81] =	vst.msk $0xffff, v13  }
.Ltmp4:
0x6d: {  	_ = 	snop;
	(pc) =	sbr.rel .LBB1_4-.Ltmp4, $1  }
0x6e: {  	_ =	sdelay $0x3  }
.LBB1_6:
0x6f: {  	_ =	sfence.sel $0x180000  }
0x70: {  	s2 =	simm.s32 $0x1;
	[bflag:$0x0] =	sbarrier.arrive $0xFFFF  }
0x71: {  	s31 =	simm.s32 $0x2;
	[sflag:s2] =	ssyncpa.u1 $0x1  }
0x72: {  	[sflag:s31] =	ssyncpa.u1 $0x1  }
0x73: {  	p0 =	sne.s32 s1, $0x0;
	_ =	strace $0x9000004A  }
0x74: {  	s0 =	sadd.s32 @!p0 $0x100000, s0;
	[bflag:$0x2] =	sbarrier.arrive $0xFFFF  }
0x75: {  	[sflag:s0] =	ssyncadd.tile.s32 @!p0 $0x1;
	_ =	shalt  }
.Lfunc_end1:
_tile_overlayer_lowered:
.L_overlay_start_2:
0x76: {  	(tag) =	ssettag $0x2  }
0x77: {  	s0 =	rddreg [dreg:$0x0];
	s2 =	stileid.u32  }
0x78: {  	s1 =	rddreg [dreg:$0x1];
	p0 =	sne.s32 s2, $0x0  }
0x79: {  	s3 =	rddreg [dreg:$0x2];
	[bflag:$0x3] =	sbarrier.arrive $0xFFFF;
	s2 =	simm.s32 @!p0 $0x1C01  }
0x7a: {  	[timem:s3], [sflag:s2] =	dma.local @!p0 [hbm:s0], s1  }
0x7b: {  	s0 =	simm.s32 @!p0 $0x1  }
0x7c: {  	_ =	swait.ge @!p0 [sflag:s0], s1  }
0x7d: {  	s1 =	ssub.s32 @!p0 $0x0, s1;
	[sflag:s0] =	ssyncset.done @!p0 $0x0  }
0x7e: {  	[sflag:s0] =	ssyncadd.s32 @!p0 s1  }
0x7f: {  	[bflag:$0x3] =	sbarrier.arrive $0xFFFF  }
0x80: {  	_ =	shalt  }

</sc_bundles>
